<compile_context>
chip_gen: v7x
topology: tpu7x:2x2x1
jax: 0.10.2.dev20260603
libtpu: 0.0.44.dev20260713+nightly
codegen_flags: <defaults>
</compile_context>

<pallas_src>
import functools

import jax
import jax.numpy as jnp
from jax import lax
from jax.experimental import pallas as pl
from jax.experimental.pallas import tpu as pltpu
from jax.experimental.pallas import tpu_sc as plsc

_D = 768
_F = 1536
_T = 8
_N = 2048
_B = 512
_NB = _N // _B + _T
_PAD = _NB * _B

_NC = 2
_NS = 16
_NW = _NC * _NS
_CHUNK = _N // _NW

_sc_mesh = plsc.VectorSubcoreMesh(core_axis_name="c", subcore_axis_name="s")


_H = _CHUNK // 2


@functools.partial(
    pl.kernel,
    mesh=_sc_mesh,
    out_type=jax.ShapeDtypeStruct((_PAD, _D), jnp.float32),
    scratch_types=[
        pltpu.VMEM((_H,), jnp.int32),
        pltpu.VMEM((_H,), jnp.int32),
        pltpu.VMEM((_H, _D), jnp.float32),
        pltpu.VMEM((_H, _D), jnp.float32),
        pltpu.SemaphoreType.DMA,
        pltpu.SemaphoreType.DMA,
    ],
    name="sc_dispatch_scatter",
)
def _sc_dispatch(x_hbm, pos_hbm, xp_hbm, idx_a, idx_b, rows_a, rows_b,
                 sem_a, sem_b):
    wid = lax.axis_index("s") * _NC + lax.axis_index("c")
    base = wid * _CHUNK
    pltpu.sync_copy(pos_hbm.at[pl.ds(base, _H)], idx_a)
    pltpu.sync_copy(x_hbm.at[pl.ds(base, _H)], rows_a)
    cpa = pltpu.async_copy(rows_a, xp_hbm.at[idx_a], sem_a)
    pltpu.sync_copy(pos_hbm.at[pl.ds(base + _H, _H)], idx_b)
    pltpu.sync_copy(x_hbm.at[pl.ds(base + _H, _H)], rows_b)
    cpb = pltpu.async_copy(rows_b, xp_hbm.at[idx_b], sem_b)
    cpa.wait()
    cpb.wait()


@functools.partial(
    pl.kernel,
    mesh=_sc_mesh,
    out_type=jax.ShapeDtypeStruct((_N, _D), jnp.float32),
    scratch_types=[
        pltpu.VMEM((_H,), jnp.int32),
        pltpu.VMEM((_H,), jnp.int32),
        pltpu.VMEM((_H, _D), jnp.float32),
        pltpu.VMEM((_H, _D), jnp.float32),
        pltpu.SemaphoreType.DMA,
        pltpu.SemaphoreType.DMA,
    ],
    name="sc_undispatch_gather",
)
def _sc_undispatch(op_hbm, pos_hbm, out_hbm, idx_a, idx_b, rows_a, rows_b,
                   sem_a, sem_b):
    wid = lax.axis_index("s") * _NC + lax.axis_index("c")
    base = wid * _CHUNK
    pltpu.sync_copy(pos_hbm.at[pl.ds(base, _H)], idx_a)
    cpa = pltpu.async_copy(op_hbm.at[idx_a], rows_a, sem_a)
    pltpu.sync_copy(pos_hbm.at[pl.ds(base + _H, _H)], idx_b)
    cpb = pltpu.async_copy(op_hbm.at[idx_b], rows_b, sem_b)
    cpa.wait()
    pltpu.sync_copy(rows_a, out_hbm.at[pl.ds(base, _H)])
    cpb.wait()
    pltpu.sync_copy(rows_b, out_hbm.at[pl.ds(base + _H, _H)])


def _ffn_body(be_ref, bv_ref, xbi_ref, xp_ref, uw_ref, ub_ref, dw_ref, db_ref,
              out_ref):
    j = pl.program_id(0)

    @pl.when(bv_ref[j] > 0)
    def _compute():
        xb = xp_ref[...]
        h = lax.dot_general(xb, uw_ref[0],
                            (((1,), (1,)), ((), ())),
                            precision=lax.Precision.DEFAULT,
                            preferred_element_type=jnp.float32)
        h = jnp.maximum(h + ub_ref[0], 0.0)
        o = lax.dot_general(h, dw_ref[0],
                            (((1,), (1,)), ((), ())),
                            precision=lax.Precision.DEFAULT,
                            preferred_element_type=jnp.float32)
        out_ref[...] = o + db_ref[0]


def _ffn(be, bv, xbi, x_padded, up_W, up_b3, down_W, down_b3):
    grid_spec = pltpu.PrefetchScalarGridSpec(
        num_scalar_prefetch=3,
        grid=(_NB,),
        in_specs=[
            pl.BlockSpec((_B, _D), lambda j, be, bv, xbi: (xbi[j], 0)),
            pl.BlockSpec((1, _F, _D), lambda j, be, bv, xbi: (be[j], 0, 0)),
            pl.BlockSpec((1, 1, _F), lambda j, be, bv, xbi: (be[j], 0, 0)),
            pl.BlockSpec((1, _D, _F), lambda j, be, bv, xbi: (be[j], 0, 0)),
            pl.BlockSpec((1, 1, _D), lambda j, be, bv, xbi: (be[j], 0, 0)),
        ],
        out_specs=pl.BlockSpec((_B, _D), lambda j, be, bv, xbi: (xbi[j], 0)),
    )
    return pl.pallas_call(
        _ffn_body,
        grid_spec=grid_spec,
        out_shape=jax.ShapeDtypeStruct((_PAD, _D), jnp.float32),
        compiler_params=pltpu.CompilerParams(
            dimension_semantics=("arbitrary",)),
    )(be, bv, xbi, x_padded, up_W, up_b3, down_W, down_b3)


def _route_body(s_ref, gate_ref, pos_ref, be_ref, bv_ref, xbi_ref):
    scores = s_ref[...]
    iota2 = lax.broadcasted_iota(jnp.int32, (_N, _T), 1)
    m = jnp.max(scores, axis=1, keepdims=True)
    cand = jnp.where(scores == m, iota2, _T)
    winner = jnp.min(cand, axis=1)
    onehot = (iota2 == winner[:, None]).astype(jnp.int32)
    gate_ref[...] = onehot.astype(jnp.float32)

    counts = jnp.sum(onehot, axis=0)
    c = onehot
    s = 1
    while s < _N:
        c = c + jnp.concatenate(
            [jnp.zeros((s, _T), jnp.int32), c[:-s, :]], axis=0)
        s *= 2
    rank = jnp.sum(c * onehot, axis=1) - 1

    pc = ((counts + _B - 1) // _B) * _B
    tri = (lax.broadcasted_iota(jnp.int32, (_T, _T), 1)
           <= lax.broadcasted_iota(jnp.int32, (_T, _T), 0)).astype(jnp.int32)
    cum = jnp.sum(tri * pc[None, :], axis=1)
    poff = cum - pc
    pos_ref[...] = jnp.sum(onehot * poff[None, :], axis=1) + rank

    total = jnp.sum(pc)
    starts = lax.broadcasted_iota(jnp.int32, (_NB,), 0) * _B
    be = jnp.sum((cum[None, :] <= starts[:, None]).astype(jnp.int32), axis=1)
    last_e = jnp.sum((cum <= total - _B).astype(jnp.int32))
    be = jnp.where(starts < total, be, last_e)
    be_ref[...] = be
    beoh = (be[:, None] == lax.broadcasted_iota(jnp.int32, (_NB, _T), 1))
    beoh = beoh.astype(jnp.int32)
    counts_be = jnp.sum(beoh * counts[None, :], axis=1)
    poff_be = jnp.sum(beoh * poff[None, :], axis=1)
    bv_ref[...] = jnp.clip(counts_be - (starts - poff_be), 0, _B)
    nactive = total // _B
    xbi_ref[...] = jnp.minimum(
        lax.broadcasted_iota(jnp.int32, (_NB,), 0), nactive - 1)


def _route_kernel(scores):
    return pl.pallas_call(
        _route_body,
        out_shape=(
            jax.ShapeDtypeStruct((_N, _T), jnp.float32),
            jax.ShapeDtypeStruct((_N,), jnp.int32),
            jax.ShapeDtypeStruct((_NB,), jnp.int32),
            jax.ShapeDtypeStruct((_NB,), jnp.int32),
            jax.ShapeDtypeStruct((_NB,), jnp.int32),
        ),
    )(scores)


def kernel(x, up_W, up_b, down_W, down_b):
    signatures = jnp.sign(jnp.sum(up_W, axis=1))
    scores = x @ signatures.T

    gate, pos, be, bv, xbi = _route_kernel(scores)

    x_padded = _sc_dispatch(x, pos)
    out_padded = _ffn(be, bv, xbi, x_padded, up_W,
                      up_b.reshape(_T, 1, _F), down_W,
                      down_b.reshape(_T, 1, _D))
    out = _sc_undispatch(out_padded, pos)
    return out, gate

# --- scband reference (transcript-rebuilt; emitter-appended) ---
"""Pipeline reference for scband-tri-xffn-51934744543431 (READ-ONLY COPY).

The authoritative reference and input builder live on the scoring server;
editing this copy changes nothing except your own understanding.
"""

import jax, jax.numpy as jnp
import numpy as np

D_MODEL = 768
EXPANSION = 2
NUM_TILES = 8
D_FF = D_MODEL * EXPANSION
N_TOKENS = 2048


def setup_inputs(seed: int = 0) -> dict:
    key = jax.random.key(seed)
    k1, k2, k3, k4, k5 = jax.random.split(key, 5)
    x = jax.random.normal(k1, (N_TOKENS, D_MODEL), dtype=jnp.float32)
    # TriXLinear tile weights: one full linear per tile (expert)
    up_W = jax.random.normal(k2, (NUM_TILES, D_FF, D_MODEL), dtype=jnp.float32) * (1.0 / np.sqrt(D_MODEL))
    up_b = jax.random.normal(k3, (NUM_TILES, D_FF), dtype=jnp.float32) * 0.01
    down_W = jax.random.normal(k4, (NUM_TILES, D_MODEL, D_FF), dtype=jnp.float32) * (1.0 / np.sqrt(D_FF))
    down_b = jax.random.normal(k5, (NUM_TILES, D_MODEL), dtype=jnp.float32) * 0.01
    return {"x": x, "up_W": up_W, "up_b": up_b, "down_W": down_W, "down_b": down_b}


def reference(x, up_W, up_b, down_W, down_b):
    # --- get_tile_signatures: sign of the sum of each tile's weight rows ---
    # up_W[t] has shape [D_FF, D_MODEL]; sum over rows (axis=1 of stacked tensor)
    signatures = jnp.sign(jnp.sum(up_W, axis=1))  # [NUM_TILES, D_MODEL], ternary {-1,0,+1}

    # --- compute_routing: argmax(input @ signatures.T), one-hot gate ---
    scores = x @ signatures.T                       # [N, NUM_TILES]
    winner = jnp.argmax(scores, axis=-1)            # [N]
    gate = jax.nn.one_hot(winner, NUM_TILES, dtype=x.dtype)  # [N, NUM_TILES]

    # --- up_proj(x, gate): gated mixture of tile linears, then ReLU ---
    h_all = jnp.einsum('nd,tfd->ntf', x, up_W) + up_b[None, :, :]   # [N, T, D_FF]
    hidden = jax.nn.relu(jnp.einsum('nt,ntf->nf', gate, h_all))     # [N, D_FF]

    # dropout rate = 0.0 -> identity

    # --- down_proj(hidden, gate) ---
    o_all = jnp.einsum('nf,tdf->ntd', hidden, down_W) + down_b[None, :, :]  # [N, T, D_MODEL]
    out = jnp.einsum('nt,ntd->nd', gate, o_all)                             # [N, D_MODEL]

    return out, gate

if __name__ == "__main__":
    import jax
    _d = setup_inputs()
    print(jax.jit(kernel)(*tuple(_d.values())))

</pallas_src>

<mosaic_0001>
#map = affine_map<(d0, d1) -> (0, 0)>
#map1 = affine_map<(d0, d1) -> (0)>
module attributes {stable_mosaic.version = 14 : i64} {
  func.func @sc_undispatch_gather(%arg0: i32, %arg1: i32, %arg2: memref<6144x768xf32, #tpu.memory_space<hbm>>, %arg3: memref<2048xi32, #tpu.memory_space<hbm>>, %arg4: memref<2048x768xf32, #tpu.memory_space<hbm>>, %arg5: memref<32xi32, #tpu.memory_space<vmem>>, %arg6: memref<32xi32, #tpu.memory_space<vmem>>, %arg7: memref<32x768xf32, #tpu.memory_space<vmem>>, %arg8: memref<32x768xf32, #tpu.memory_space<vmem>>, %arg9: memref<!tpu.dma_semaphore, #tpu.memory_space<semaphore_mem>>, %arg10: memref<!tpu.dma_semaphore, #tpu.memory_space<semaphore_mem>>) attributes {dimension_semantics = [#tpu.dimension_semantics<core_parallel>, #tpu.dimension_semantics<subcore_parallel>], iteration_bounds = array<i64: 2, 16>, scalar_prefetch = 0 : i64, scratch_operands = 6 : i64, tpu.core_type = #tpu.core_type<sc_vector_subcore>, window_params = [{transform_indices = #map}, {transform_indices = #map1}, {transform_indices = #map}]} {
    %mul3A = arith.constant 2 : i32
    %mul3A_0 = arith.muli %arg1, %mul3A : i32
    %add3A = arith.addi %mul3A_0, %arg0 : i32
    %mul3A_1 = arith.constant 64 : i32
    %mul3A_2 = arith.muli %add3A, %mul3A_1 : i32
    "tpu.region"() ({
      %run_scoped3A = tpu.sem_alloc : memref<!tpu.dma_semaphore, #tpu.memory_space<semaphore_mem>>
      %dma_start3A_17 = tpu.memref_slice %arg3[%mul3A_2] : memref<2048xi32, #tpu.memory_space<hbm>> -> memref<32xi32, #tpu.memory_space<hbm>>
      %dma_start3A_18 = tpu.memref_slice %arg3[%mul3A_2] : memref<2048xi32, #tpu.memory_space<hbm>> -> memref<32xi32, #tpu.memory_space<hbm>>
      tpu.enqueue_dma source(%dma_start3A_18 : memref<32xi32, #tpu.memory_space<hbm>>) target(%arg5 : memref<32xi32, #tpu.memory_space<vmem>>) target_semaphore(%run_scoped3A : memref<!tpu.dma_semaphore, #tpu.memory_space<semaphore_mem>>)
      %dma_wait3A_19 = tpu.memref_slice %arg3[%mul3A_2] : memref<2048xi32, #tpu.memory_space<hbm>> -> memref<32xi32, #tpu.memory_space<hbm>>
      %dma_wait3A_20 = tpu.memref_slice %arg3[%mul3A_2] : memref<2048xi32, #tpu.memory_space<hbm>> -> memref<32xi32, #tpu.memory_space<hbm>>
      tpu.wait_dma2 semaphore(%run_scoped3A : memref<!tpu.dma_semaphore, #tpu.memory_space<semaphore_mem>>) src(%dma_wait3A_20 : memref<32xi32, #tpu.memory_space<hbm>>) dst(%arg5 : memref<32xi32, #tpu.memory_space<vmem>>)
      tpu.yield
    }) : () -> ()
    %dma_start3A = arith.constant 0 : i32
    %dma_start3A_3 = arith.constant 0 : i32
    %dma_start3A_4 = tpu.memref_slice %arg2[%dma_start3A, %dma_start3A_3] : memref<6144x768xf32, #tpu.memory_space<hbm>> -> memref<6144x768xf32, #tpu.memory_space<hbm>>
    tpu.enqueue_indirect_dma source(%dma_start3A_4 : memref<6144x768xf32, #tpu.memory_space<hbm>>) target(%arg7 : memref<32x768xf32, #tpu.memory_space<vmem>>) offsets(%arg5 : memref<32xi32, #tpu.memory_space<vmem>>) semaphore(%arg9 : memref<!tpu.dma_semaphore, #tpu.memory_space<semaphore_mem>>)
    %add3A_5 = arith.constant 32 : i32
    %add3A_6 = arith.addi %mul3A_2, %add3A_5 : i32
    "tpu.region"() ({
      %run_scoped3A = tpu.sem_alloc : memref<!tpu.dma_semaphore, #tpu.memory_space<semaphore_mem>>
      %dma_start3A_17 = tpu.memref_slice %arg3[%add3A_6] : memref<2048xi32, #tpu.memory_space<hbm>> -> memref<32xi32, #tpu.memory_space<hbm>>
      %dma_start3A_18 = tpu.memref_slice %arg3[%add3A_6] : memref<2048xi32, #tpu.memory_space<hbm>> -> memref<32xi32, #tpu.memory_space<hbm>>
      tpu.enqueue_dma source(%dma_start3A_18 : memref<32xi32, #tpu.memory_space<hbm>>) target(%arg6 : memref<32xi32, #tpu.memory_space<vmem>>) target_semaphore(%run_scoped3A : memref<!tpu.dma_semaphore, #tpu.memory_space<semaphore_mem>>)
      %dma_wait3A_19 = tpu.memref_slice %arg3[%add3A_6] : memref<2048xi32, #tpu.memory_space<hbm>> -> memref<32xi32, #tpu.memory_space<hbm>>
      %dma_wait3A_20 = tpu.memref_slice %arg3[%add3A_6] : memref<2048xi32, #tpu.memory_space<hbm>> -> memref<32xi32, #tpu.memory_space<hbm>>
      tpu.wait_dma2 semaphore(%run_scoped3A : memref<!tpu.dma_semaphore, #tpu.memory_space<semaphore_mem>>) src(%dma_wait3A_20 : memref<32xi32, #tpu.memory_space<hbm>>) dst(%arg6 : memref<32xi32, #tpu.memory_space<vmem>>)
      tpu.yield
    }) : () -> ()
    %dma_start3A_7 = arith.constant 0 : i32
    %dma_start3A_8 = arith.constant 0 : i32
    %dma_start3A_9 = tpu.memref_slice %arg2[%dma_start3A_7, %dma_start3A_8] : memref<6144x768xf32, #tpu.memory_space<hbm>> -> memref<6144x768xf32, #tpu.memory_space<hbm>>
    tpu.enqueue_indirect_dma source(%dma_start3A_9 : memref<6144x768xf32, #tpu.memory_space<hbm>>) target(%arg8 : memref<32x768xf32, #tpu.memory_space<vmem>>) offsets(%arg6 : memref<32xi32, #tpu.memory_space<vmem>>) semaphore(%arg10 : memref<!tpu.dma_semaphore, #tpu.memory_space<semaphore_mem>>)
    %dma_wait3A = arith.constant 0 : i32
    %dma_wait3A_10 = arith.constant 0 : i32
    %dma_wait3A_11 = tpu.memref_slice %arg2[%dma_wait3A, %dma_wait3A_10] : memref<6144x768xf32, #tpu.memory_space<hbm>> -> memref<6144x768xf32, #tpu.memory_space<hbm>>
    tpu.wait_indirect_dma semaphore(%arg9 : memref<!tpu.dma_semaphore, #tpu.memory_space<semaphore_mem>>) src(%dma_wait3A_11 : memref<6144x768xf32, #tpu.memory_space<hbm>>) dst(%arg7 : memref<32x768xf32, #tpu.memory_space<vmem>>)
    "tpu.region"() ({
      %run_scoped3A = tpu.sem_alloc : memref<!tpu.dma_semaphore, #tpu.memory_space<semaphore_mem>>
      %dma_start3A_17 = arith.constant 0 : i32
      %dma_start3A_18 = tpu.memref_slice %arg4[%mul3A_2, %dma_start3A_17] : memref<2048x768xf32, #tpu.memory_space<hbm>> -> memref<32x768xf32, #tpu.memory_space<hbm>>
      %dma_start3A_19 = arith.constant 0 : i32
      %dma_start3A_20 = tpu.memref_slice %arg4[%mul3A_2, %dma_start3A_19] : memref<2048x768xf32, #tpu.memory_space<hbm>> -> memref<32x768xf32, #tpu.memory_space<hbm>>
      tpu.enqueue_dma source(%arg7 : memref<32x768xf32, #tpu.memory_space<vmem>>) target(%dma_start3A_20 : memref<32x768xf32, #tpu.memory_space<hbm>>) target_semaphore(%run_scoped3A : memref<!tpu.dma_semaphore, #tpu.memory_space<semaphore_mem>>)
      %dma_wait3A_21 = arith.constant 0 : i32
      %dma_wait3A_22 = tpu.memref_slice %arg4[%mul3A_2, %dma_wait3A_21] : memref<2048x768xf32, #tpu.memory_space<hbm>> -> memref<32x768xf32, #tpu.memory_space<hbm>>
      %dma_wait3A_23 = arith.constant 0 : i32
      %dma_wait3A_24 = tpu.memref_slice %arg4[%mul3A_2, %dma_wait3A_23] : memref<2048x768xf32, #tpu.memory_space<hbm>> -> memref<32x768xf32, #tpu.memory_space<hbm>>
      tpu.wait_dma2 semaphore(%run_scoped3A : memref<!tpu.dma_semaphore, #tpu.memory_space<semaphore_mem>>) src(%arg7 : memref<32x768xf32, #tpu.memory_space<vmem>>) dst(%dma_wait3A_24 : memref<32x768xf32, #tpu.memory_space<hbm>>)
      tpu.yield
    }) : () -> ()
    %dma_wait3A_12 = arith.constant 0 : i32
    %dma_wait3A_13 = arith.constant 0 : i32
    %dma_wait3A_14 = tpu.memref_slice %arg2[%dma_wait3A_12, %dma_wait3A_13] : memref<6144x768xf32, #tpu.memory_space<hbm>> -> memref<6144x768xf32, #tpu.memory_space<hbm>>
    tpu.wait_indirect_dma semaphore(%arg10 : memref<!tpu.dma_semaphore, #tpu.memory_space<semaphore_mem>>) src(%dma_wait3A_14 : memref<6144x768xf32, #tpu.memory_space<hbm>>) dst(%arg8 : memref<32x768xf32, #tpu.memory_space<vmem>>)
    %add3A_15 = arith.constant 32 : i32
    %add3A_16 = arith.addi %mul3A_2, %add3A_15 : i32
    "tpu.region"() ({
      %run_scoped3A = tpu.sem_alloc : memref<!tpu.dma_semaphore, #tpu.memory_space<semaphore_mem>>
      %dma_start3A_17 = arith.constant 0 : i32
      %dma_start3A_18 = tpu.memref_slice %arg4[%add3A_16, %dma_start3A_17] : memref<2048x768xf32, #tpu.memory_space<hbm>> -> memref<32x768xf32, #tpu.memory_space<hbm>>
      %dma_start3A_19 = arith.constant 0 : i32
      %dma_start3A_20 = tpu.memref_slice %arg4[%add3A_16, %dma_start3A_19] : memref<2048x768xf32, #tpu.memory_space<hbm>> -> memref<32x768xf32, #tpu.memory_space<hbm>>
      tpu.enqueue_dma source(%arg8 : memref<32x768xf32, #tpu.memory_space<vmem>>) target(%dma_start3A_20 : memref<32x768xf32, #tpu.memory_space<hbm>>) target_semaphore(%run_scoped3A : memref<!tpu.dma_semaphore, #tpu.memory_space<semaphore_mem>>)
      %dma_wait3A_21 = arith.constant 0 : i32
      %dma_wait3A_22 = tpu.memref_slice %arg4[%add3A_16, %dma_wait3A_21] : memref<2048x768xf32, #tpu.memory_space<hbm>> -> memref<32x768xf32, #tpu.memory_space<hbm>>
      %dma_wait3A_23 = arith.constant 0 : i32
      %dma_wait3A_24 = tpu.memref_slice %arg4[%add3A_16, %dma_wait3A_23] : memref<2048x768xf32, #tpu.memory_space<hbm>> -> memref<32x768xf32, #tpu.memory_space<hbm>>
      tpu.wait_dma2 semaphore(%run_scoped3A : memref<!tpu.dma_semaphore, #tpu.memory_space<semaphore_mem>>) src(%arg8 : memref<32x768xf32, #tpu.memory_space<vmem>>) dst(%dma_wait3A_24 : memref<32x768xf32, #tpu.memory_space<hbm>>)
      tpu.yield
    }) : () -> ()
    return
  }
}

#map = affine_map<(d0, d1) -> (0, 0)>
#map1 = affine_map<(d0, d1) -> (0)>
module attributes {stable_mosaic.version = 14 : i64} {
  func.func @sc_dispatch_scatter(%arg0: i32, %arg1: i32, %arg2: memref<2048x768xf32, #tpu.memory_space<hbm>>, %arg3: memref<2048xi32, #tpu.memory_space<hbm>>, %arg4: memref<6144x768xf32, #tpu.memory_space<hbm>>, %arg5: memref<32xi32, #tpu.memory_space<vmem>>, %arg6: memref<32xi32, #tpu.memory_space<vmem>>, %arg7: memref<32x768xf32, #tpu.memory_space<vmem>>, %arg8: memref<32x768xf32, #tpu.memory_space<vmem>>, %arg9: memref<!tpu.dma_semaphore, #tpu.memory_space<semaphore_mem>>, %arg10: memref<!tpu.dma_semaphore, #tpu.memory_space<semaphore_mem>>) attributes {dimension_semantics = [#tpu.dimension_semantics<core_parallel>, #tpu.dimension_semantics<subcore_parallel>], iteration_bounds = array<i64: 2, 16>, scalar_prefetch = 0 : i64, scratch_operands = 6 : i64, tpu.core_type = #tpu.core_type<sc_vector_subcore>, window_params = [{transform_indices = #map}, {transform_indices = #map1}, {transform_indices = #map}]} {
    %mul3A = arith.constant 2 : i32
    %mul3A_0 = arith.muli %arg1, %mul3A : i32
    %add3A = arith.addi %mul3A_0, %arg0 : i32
    %mul3A_1 = arith.constant 64 : i32
    %mul3A_2 = arith.muli %add3A, %mul3A_1 : i32
    "tpu.region"() ({
      %run_scoped3A = tpu.sem_alloc : memref<!tpu.dma_semaphore, #tpu.memory_space<semaphore_mem>>
      %dma_start3A_17 = tpu.memref_slice %arg3[%mul3A_2] : memref<2048xi32, #tpu.memory_space<hbm>> -> memref<32xi32, #tpu.memory_space<hbm>>
      %dma_start3A_18 = tpu.memref_slice %arg3[%mul3A_2] : memref<2048xi32, #tpu.memory_space<hbm>> -> memref<32xi32, #tpu.memory_space<hbm>>
      tpu.enqueue_dma source(%dma_start3A_18 : memref<32xi32, #tpu.memory_space<hbm>>) target(%arg5 : memref<32xi32, #tpu.memory_space<vmem>>) target_semaphore(%run_scoped3A : memref<!tpu.dma_semaphore, #tpu.memory_space<semaphore_mem>>)
      %dma_wait3A_19 = tpu.memref_slice %arg3[%mul3A_2] : memref<2048xi32, #tpu.memory_space<hbm>> -> memref<32xi32, #tpu.memory_space<hbm>>
      %dma_wait3A_20 = tpu.memref_slice %arg3[%mul3A_2] : memref<2048xi32, #tpu.memory_space<hbm>> -> memref<32xi32, #tpu.memory_space<hbm>>
      tpu.wait_dma2 semaphore(%run_scoped3A : memref<!tpu.dma_semaphore, #tpu.memory_space<semaphore_mem>>) src(%dma_wait3A_20 : memref<32xi32, #tpu.memory_space<hbm>>) dst(%arg5 : memref<32xi32, #tpu.memory_space<vmem>>)
      tpu.yield
    }) : () -> ()
    "tpu.region"() ({
      %run_scoped3A = tpu.sem_alloc : memref<!tpu.dma_semaphore, #tpu.memory_space<semaphore_mem>>
      %dma_start3A_17 = arith.constant 0 : i32
      %dma_start3A_18 = tpu.memref_slice %arg2[%mul3A_2, %dma_start3A_17] : memref<2048x768xf32, #tpu.memory_space<hbm>> -> memref<32x768xf32, #tpu.memory_space<hbm>>
      %dma_start3A_19 = arith.constant 0 : i32
      %dma_start3A_20 = tpu.memref_slice %arg2[%mul3A_2, %dma_start3A_19] : memref<2048x768xf32, #tpu.memory_space<hbm>> -> memref<32x768xf32, #tpu.memory_space<hbm>>
      tpu.enqueue_dma source(%dma_start3A_20 : memref<32x768xf32, #tpu.memory_space<hbm>>) target(%arg7 : memref<32x768xf32, #tpu.memory_space<vmem>>) target_semaphore(%run_scoped3A : memref<!tpu.dma_semaphore, #tpu.memory_space<semaphore_mem>>)
      %dma_wait3A_21 = arith.constant 0 : i32
      %dma_wait3A_22 = tpu.memref_slice %arg2[%mul3A_2, %dma_wait3A_21] : memref<2048x768xf32, #tpu.memory_space<hbm>> -> memref<32x768xf32, #tpu.memory_space<hbm>>
      %dma_wait3A_23 = arith.constant 0 : i32
      %dma_wait3A_24 = tpu.memref_slice %arg2[%mul3A_2, %dma_wait3A_23] : memref<2048x768xf32, #tpu.memory_space<hbm>> -> memref<32x768xf32, #tpu.memory_space<hbm>>
      tpu.wait_dma2 semaphore(%run_scoped3A : memref<!tpu.dma_semaphore, #tpu.memory_space<semaphore_mem>>) src(%dma_wait3A_24 : memref<32x768xf32, #tpu.memory_space<hbm>>) dst(%arg7 : memref<32x768xf32, #tpu.memory_space<vmem>>)
      tpu.yield
    }) : () -> ()
    %dma_start3A = arith.constant 0 : i32
    %dma_start3A_3 = arith.constant 0 : i32
    %dma_start3A_4 = tpu.memref_slice %arg4[%dma_start3A, %dma_start3A_3] : memref<6144x768xf32, #tpu.memory_space<hbm>> -> memref<6144x768xf32, #tpu.memory_space<hbm>>
    tpu.enqueue_indirect_dma source(%arg7 : memref<32x768xf32, #tpu.memory_space<vmem>>) target(%dma_start3A_4 : memref<6144x768xf32, #tpu.memory_space<hbm>>) offsets(%arg5 : memref<32xi32, #tpu.memory_space<vmem>>) semaphore(%arg9 : memref<!tpu.dma_semaphore, #tpu.memory_space<semaphore_mem>>)
    %add3A_5 = arith.constant 32 : i32
    %add3A_6 = arith.addi %mul3A_2, %add3A_5 : i32
    "tpu.region"() ({
      %run_scoped3A = tpu.sem_alloc : memref<!tpu.dma_semaphore, #tpu.memory_space<semaphore_mem>>
      %dma_start3A_17 = tpu.memref_slice %arg3[%add3A_6] : memref<2048xi32, #tpu.memory_space<hbm>> -> memref<32xi32, #tpu.memory_space<hbm>>
      %dma_start3A_18 = tpu.memref_slice %arg3[%add3A_6] : memref<2048xi32, #tpu.memory_space<hbm>> -> memref<32xi32, #tpu.memory_space<hbm>>
      tpu.enqueue_dma source(%dma_start3A_18 : memref<32xi32, #tpu.memory_space<hbm>>) target(%arg6 : memref<32xi32, #tpu.memory_space<vmem>>) target_semaphore(%run_scoped3A : memref<!tpu.dma_semaphore, #tpu.memory_space<semaphore_mem>>)
      %dma_wait3A_19 = tpu.memref_slice %arg3[%add3A_6] : memref<2048xi32, #tpu.memory_space<hbm>> -> memref<32xi32, #tpu.memory_space<hbm>>
      %dma_wait3A_20 = tpu.memref_slice %arg3[%add3A_6] : memref<2048xi32, #tpu.memory_space<hbm>> -> memref<32xi32, #tpu.memory_space<hbm>>
      tpu.wait_dma2 semaphore(%run_scoped3A : memref<!tpu.dma_semaphore, #tpu.memory_space<semaphore_mem>>) src(%dma_wait3A_20 : memref<32xi32, #tpu.memory_space<hbm>>) dst(%arg6 : memref<32xi32, #tpu.memory_space<vmem>>)
      tpu.yield
    }) : () -> ()
    %add3A_7 = arith.constant 32 : i32
    %add3A_8 = arith.addi %mul3A_2, %add3A_7 : i32
    "tpu.region"() ({
      %run_scoped3A = tpu.sem_alloc : memref<!tpu.dma_semaphore, #tpu.memory_space<semaphore_mem>>
      %dma_start3A_17 = arith.constant 0 : i32
      %dma_start3A_18 = tpu.memref_slice %arg2[%add3A_8, %dma_start3A_17] : memref<2048x768xf32, #tpu.memory_space<hbm>> -> memref<32x768xf32, #tpu.memory_space<hbm>>
      %dma_start3A_19 = arith.constant 0 : i32
      %dma_start3A_20 = tpu.memref_slice %arg2[%add3A_8, %dma_start3A_19] : memref<2048x768xf32, #tpu.memory_space<hbm>> -> memref<32x768xf32, #tpu.memory_space<hbm>>
      tpu.enqueue_dma source(%dma_start3A_20 : memref<32x768xf32, #tpu.memory_space<hbm>>) target(%arg8 : memref<32x768xf32, #tpu.memory_space<vmem>>) target_semaphore(%run_scoped3A : memref<!tpu.dma_semaphore, #tpu.memory_space<semaphore_mem>>)
      %dma_wait3A_21 = arith.constant 0 : i32
      %dma_wait3A_22 = tpu.memref_slice %arg2[%add3A_8, %dma_wait3A_21] : memref<2048x768xf32, #tpu.memory_space<hbm>> -> memref<32x768xf32, #tpu.memory_space<hbm>>
      %dma_wait3A_23 = arith.constant 0 : i32
      %dma_wait3A_24 = tpu.memref_slice %arg2[%add3A_8, %dma_wait3A_23] : memref<2048x768xf32, #tpu.memory_space<hbm>> -> memref<32x768xf32, #tpu.memory_space<hbm>>
      tpu.wait_dma2 semaphore(%run_scoped3A : memref<!tpu.dma_semaphore, #tpu.memory_space<semaphore_mem>>) src(%dma_wait3A_24 : memref<32x768xf32, #tpu.memory_space<hbm>>) dst(%arg8 : memref<32x768xf32, #tpu.memory_space<vmem>>)
      tpu.yield
    }) : () -> ()
    %dma_start3A_9 = arith.constant 0 : i32
    %dma_start3A_10 = arith.constant 0 : i32
    %dma_start3A_11 = tpu.memref_slice %arg4[%dma_start3A_9, %dma_start3A_10] : memref<6144x768xf32, #tpu.memory_space<hbm>> -> memref<6144x768xf32, #tpu.memory_space<hbm>>
    tpu.enqueue_indirect_dma source(%arg8 : memref<32x768xf32, #tpu.memory_space<vmem>>) target(%dma_start3A_11 : memref<6144x768xf32, #tpu.memory_space<hbm>>) offsets(%arg6 : memref<32xi32, #tpu.memory_space<vmem>>) semaphore(%arg10 : memref<!tpu.dma_semaphore, #tpu.memory_space<semaphore_mem>>)
    %dma_wait3A = arith.constant 0 : i32
    %dma_wait3A_12 = arith.constant 0 : i32
    %dma_wait3A_13 = tpu.memref_slice %arg4[%dma_wait3A, %dma_wait3A_12] : memref<6144x768xf32, #tpu.memory_space<hbm>> -> memref<6144x768xf32, #tpu.memory_space<hbm>>
    tpu.wait_indirect_dma semaphore(%arg9 : memref<!tpu.dma_semaphore, #tpu.memory_space<semaphore_mem>>) src(%arg7 : memref<32x768xf32, #tpu.memory_space<vmem>>) dst(%dma_wait3A_13 : memref<6144x768xf32, #tpu.memory_space<hbm>>)
    %dma_wait3A_14 = arith.constant 0 : i32
    %dma_wait3A_15 = arith.constant 0 : i32
    %dma_wait3A_16 = tpu.memref_slice %arg4[%dma_wait3A_14, %dma_wait3A_15] : memref<6144x768xf32, #tpu.memory_space<hbm>> -> memref<6144x768xf32, #tpu.memory_space<hbm>>
    tpu.wait_indirect_dma semaphore(%arg10 : memref<!tpu.dma_semaphore, #tpu.memory_space<semaphore_mem>>) src(%arg8 : memref<32x768xf32, #tpu.memory_space<vmem>>) dst(%dma_wait3A_16 : memref<6144x768xf32, #tpu.memory_space<hbm>>)
    return
  }
}

module attributes {stable_mosaic.version = 14 : i64} {
  func.func @_route_body(%arg0: memref<2048x8xf32, #tpu.memory_space<vmem>>, %arg1: memref<2048x8xf32, #tpu.memory_space<vmem>>, %arg2: memref<2048xi32, #tpu.memory_space<vmem>>, %arg3: memref<12xi32, #tpu.memory_space<vmem>>, %arg4: memref<12xi32, #tpu.memory_space<vmem>>, %arg5: memref<12xi32, #tpu.memory_space<vmem>>) attributes {dimension_semantics = [], scalar_prefetch = 0 : i64, scratch_operands = 0 : i64, tpu.core_type = #tpu.core_type<tc>} {
    %get3A = arith.constant 0 : index
    %get3A_0 = arith.constant 0 : index
    %get3A_1 = vector.load %arg0[%get3A, %get3A_0] : memref<2048x8xf32, #tpu.memory_space<vmem>>, vector<2048x8xf32>
    %iota3A = tpu.iota {dimensions = array<i32: 1>} : vector<2048x8xi32>
    %reduce_max3A = arith.constant dense<0xFF800000> : vector<2048xf32>
    %reduce_max3A_2 = vector.multi_reduction <maximumf>, %get3A_1, %reduce_max3A [1] : vector<2048x8xf32> to vector<2048xf32>
    %broadcast_in_dim3A = vector.shape_cast %reduce_max3A_2 : vector<2048xf32> to vector<2048x1xf32>
    %eq3A = vector.broadcast %broadcast_in_dim3A : vector<2048x1xf32> to vector<2048x8xf32>
    %eq3A_3 = arith.cmpf oeq, %get3A_1, %eq3A : vector<2048x8xf32>
    %jit3A = arith.constant 8 : i32
    %broadcast_in_dim3A_4 = vector.broadcast %jit3A : i32 to vector<2048x8xi32>
    %select_n3A = arith.select %eq3A_3, %iota3A, %broadcast_in_dim3A_4 : vector<2048x8xi1>, vector<2048x8xi32>
    %reduce_min3A = arith.constant dense<2147483647> : vector<2048xi32>
    %reduce_min3A_5 = vector.multi_reduction <minsi>, %select_n3A, %reduce_min3A [1] : vector<2048x8xi32> to vector<2048xi32>
    %broadcast_in_dim3A_6 = vector.shape_cast %reduce_min3A_5 : vector<2048xi32> to vector<2048x1xi32>
    %eq3A_7 = vector.broadcast %broadcast_in_dim3A_6 : vector<2048x1xi32> to vector<2048x8xi32>
    %eq3A_8 = arith.cmpi eq, %iota3A, %eq3A_7 : vector<2048x8xi32>
    %convert_element_type3A = arith.extui %eq3A_8 : vector<2048x8xi1> to vector<2048x8xi32>
    %convert_element_type3A_9 = arith.sitofp %convert_element_type3A : vector<2048x8xi32> to vector<2048x8xf32>
    %swap3A = arith.constant 0 : index
    %swap3A_10 = arith.constant 0 : index
    %swap3A_11 = vector.load %arg1[%swap3A, %swap3A_10] : memref<2048x8xf32, #tpu.memory_space<vmem>>, vector<2048x8xf32>
    tpu.vector_store %arg1[%swap3A, %swap3A_10], %convert_element_type3A_9 {strides = array<i32>} : memref<2048x8xf32, #tpu.memory_space<vmem>>, vector<2048x8xf32>,
    %reduce_sum3A = arith.constant dense<0> : vector<8xi32>
    %reduce_sum3A_12 = vector.multi_reduction <add>, %convert_element_type3A, %reduce_sum3A [0] : vector<2048x8xi32> to vector<8xi32>
    %broadcast_in_dim3A_13 = arith.constant 0 : i32
    %broadcast_in_dim3A_14 = vector.broadcast %broadcast_in_dim3A_13 : i32 to vector<1x8xi32>
    %slice3A = vector.extract_strided_slice %convert_element_type3A {offsets = [0, 0], sizes = [2047, 8], strides = [1, 1]} : vector<2048x8xi32> to vector<2047x8xi32>
    %concatenate3A = tpu.concatenate %broadcast_in_dim3A_14, %slice3A in 0 : vector<1x8xi32>, vector<2047x8xi32> -> vector<2048x8xi32>
    %add3A = arith.addi %convert_element_type3A, %concatenate3A : vector<2048x8xi32>
    %broadcast_in_dim3A_15 = arith.constant 0 : i32
    %broadcast_in_dim3A_16 = vector.broadcast %broadcast_in_dim3A_15 : i32 to vector<2x8xi32>
    %slice3A_17 = vector.extract_strided_slice %add3A {offsets = [0, 0], sizes = [2046, 8], strides = [1, 1]} : vector<2048x8xi32> to vector<2046x8xi32>
    %concatenate3A_18 = tpu.concatenate %broadcast_in_dim3A_16, %slice3A_17 in 0 : vector<2x8xi32>, vector<2046x8xi32> -> vector<2048x8xi32>
    %add3A_19 = arith.addi %add3A, %concatenate3A_18 : vector<2048x8xi32>
    %broadcast_in_dim3A_20 = arith.constant 0 : i32
    %broadcast_in_dim3A_21 = vector.broadcast %broadcast_in_dim3A_20 : i32 to vector<4x8xi32>
    %slice3A_22 = vector.extract_strided_slice %add3A_19 {offsets = [0, 0], sizes = [2044, 8], strides = [1, 1]} : vector<2048x8xi32> to vector<2044x8xi32>
    %concatenate3A_23 = tpu.concatenate %broadcast_in_dim3A_21, %slice3A_22 in 0 : vector<4x8xi32>, vector<2044x8xi32> -> vector<2048x8xi32>
    %add3A_24 = arith.addi %add3A_19, %concatenate3A_23 : vector<2048x8xi32>
    %broadcast_in_dim3A_25 = arith.constant 0 : i32
    %broadcast_in_dim3A_26 = vector.broadcast %broadcast_in_dim3A_25 : i32 to vector<8x8xi32>
    %slice3A_27 = vector.extract_strided_slice %add3A_24 {offsets = [0, 0], sizes = [2040, 8], strides = [1, 1]} : vector<2048x8xi32> to vector<2040x8xi32>
    %concatenate3A_28 = tpu.concatenate %broadcast_in_dim3A_26, %slice3A_27 in 0 : vector<8x8xi32>, vector<2040x8xi32> -> vector<2048x8xi32>
    %add3A_29 = arith.addi %add3A_24, %concatenate3A_28 : vector<2048x8xi32>
    %broadcast_in_dim3A_30 = arith.constant 0 : i32
    %broadcast_in_dim3A_31 = vector.broadcast %broadcast_in_dim3A_30 : i32 to vector<16x8xi32>
    %slice3A_32 = vector.extract_strided_slice %add3A_29 {offsets = [0, 0], sizes = [2032, 8], strides = [1, 1]} : vector<2048x8xi32> to vector<2032x8xi32>
    %concatenate3A_33 = tpu.concatenate %broadcast_in_dim3A_31, %slice3A_32 in 0 : vector<16x8xi32>, vector<2032x8xi32> -> vector<2048x8xi32>
    %add3A_34 = arith.addi %add3A_29, %concatenate3A_33 : vector<2048x8xi32>
    %broadcast_in_dim3A_35 = arith.constant 0 : i32
    %broadcast_in_dim3A_36 = vector.broadcast %broadcast_in_dim3A_35 : i32 to vector<32x8xi32>
    %slice3A_37 = vector.extract_strided_slice %add3A_34 {offsets = [0, 0], sizes = [2016, 8], strides = [1, 1]} : vector<2048x8xi32> to vector<2016x8xi32>
    %concatenate3A_38 = tpu.concatenate %broadcast_in_dim3A_36, %slice3A_37 in 0 : vector<32x8xi32>, vector<2016x8xi32> -> vector<2048x8xi32>
    %add3A_39 = arith.addi %add3A_34, %concatenate3A_38 : vector<2048x8xi32>
    %broadcast_in_dim3A_40 = arith.constant 0 : i32
    %broadcast_in_dim3A_41 = vector.broadcast %broadcast_in_dim3A_40 : i32 to vector<64x8xi32>
    %slice3A_42 = vector.extract_strided_slice %add3A_39 {offsets = [0, 0], sizes = [1984, 8], strides = [1, 1]} : vector<2048x8xi32> to vector<1984x8xi32>
    %concatenate3A_43 = tpu.concatenate %broadcast_in_dim3A_41, %slice3A_42 in 0 : vector<64x8xi32>, vector<1984x8xi32> -> vector<2048x8xi32>
    %add3A_44 = arith.addi %add3A_39, %concatenate3A_43 : vector<2048x8xi32>
    %broadcast_in_dim3A_45 = arith.constant 0 : i32
    %broadcast_in_dim3A_46 = vector.broadcast %broadcast_in_dim3A_45 : i32 to vector<128x8xi32>
    %slice3A_47 = vector.extract_strided_slice %add3A_44 {offsets = [0, 0], sizes = [1920, 8], strides = [1, 1]} : vector<2048x8xi32> to vector<1920x8xi32>
    %concatenate3A_48 = tpu.concatenate %broadcast_in_dim3A_46, %slice3A_47 in 0 : vector<128x8xi32>, vector<1920x8xi32> -> vector<2048x8xi32>
    %add3A_49 = arith.addi %add3A_44, %concatenate3A_48 : vector<2048x8xi32>
    %broadcast_in_dim3A_50 = arith.constant 0 : i32
    %broadcast_in_dim3A_51 = vector.broadcast %broadcast_in_dim3A_50 : i32 to vector<256x8xi32>
    %slice3A_52 = vector.extract_strided_slice %add3A_49 {offsets = [0, 0], sizes = [1792, 8], strides = [1, 1]} : vector<2048x8xi32> to vector<1792x8xi32>
    %concatenate3A_53 = tpu.concatenate %broadcast_in_dim3A_51, %slice3A_52 in 0 : vector<256x8xi32>, vector<1792x8xi32> -> vector<2048x8xi32>
    %add3A_54 = arith.addi %add3A_49, %concatenate3A_53 : vector<2048x8xi32>
    %broadcast_in_dim3A_55 = arith.constant 0 : i32
    %broadcast_in_dim3A_56 = vector.broadcast %broadcast_in_dim3A_55 : i32 to vector<512x8xi32>
    %slice3A_57 = vector.extract_strided_slice %add3A_54 {offsets = [0, 0], sizes = [1536, 8], strides = [1, 1]} : vector<2048x8xi32> to vector<1536x8xi32>
    %concatenate3A_58 = tpu.concatenate %broadcast_in_dim3A_56, %slice3A_57 in 0 : vector<512x8xi32>, vector<1536x8xi32> -> vector<2048x8xi32>
    %add3A_59 = arith.addi %add3A_54, %concatenate3A_58 : vector<2048x8xi32>
    %broadcast_in_dim3A_60 = arith.constant 0 : i32
    %broadcast_in_dim3A_61 = vector.broadcast %broadcast_in_dim3A_60 : i32 to vector<1024x8xi32>
    %slice3A_62 = vector.extract_strided_slice %add3A_59 {offsets = [0, 0], sizes = [1024, 8], strides = [1, 1]} : vector<2048x8xi32> to vector<1024x8xi32>
    %concatenate3A_63 = tpu.concatenate %broadcast_in_dim3A_61, %slice3A_62 in 0 : vector<1024x8xi32>, vector<1024x8xi32> -> vector<2048x8xi32>
    %add3A_64 = arith.addi %add3A_59, %concatenate3A_63 : vector<2048x8xi32>
    %mul3A = arith.muli %add3A_64, %convert_element_type3A : vector<2048x8xi32>
    %reduce_sum3A_65 = arith.constant dense<0> : vector<2048xi32>
    %reduce_sum3A_66 = vector.multi_reduction <add>, %mul3A, %reduce_sum3A_65 [1] : vector<2048x8xi32> to vector<2048xi32>
    %sub3A = arith.constant 1 : i32
    %sub3A_67 = vector.broadcast %sub3A : i32 to vector<2048xi32>
    %sub3A_68 = arith.subi %reduce_sum3A_66, %sub3A_67 : vector<2048xi32>
    %add3A_69 = arith.constant 512 : i32
    %add3A_70 = vector.broadcast %add3A_69 : i32 to vector<8xi32>
    %add3A_71 = arith.addi %reduce_sum3A_12, %add3A_70 : vector<8xi32>
    %sub3A_72 = arith.constant 1 : i32
    %sub3A_73 = vector.broadcast %sub3A_72 : i32 to vector<8xi32>
    %sub3A_74 = arith.subi %add3A_71, %sub3A_73 : vector<8xi32>
    %jit3A_75 = arith.constant 512 : i32
    %div3A = vector.broadcast %jit3A_75 : i32 to vector<8xi32>
    %div3A_76 = arith.divsi %sub3A_74, %div3A : vector<8xi32>
    %sign3A = arith.constant 0 : i32
    %sign3A_77 = vector.broadcast %sign3A : i32 to vector<8xi32>
    %sign3A_78 = arith.cmpi sgt, %sub3A_74, %sign3A_77 : vector<8xi32>
    %sign3A_79 = arith.extui %sign3A_78 : vector<8xi1> to vector<8xi32>
    %sign3A_80 = arith.constant 0 : i32
    %sign3A_81 = vector.broadcast %sign3A_80 : i32 to vector<8xi32>
    %sign3A_82 = arith.cmpi slt, %sub3A_74, %sign3A_81 : vector<8xi32>
    %sign3A_83 = arith.extui %sign3A_82 : vector<8xi1> to vector<8xi32>
    %sign3A_84 = arith.subi %sign3A_79, %sign3A_83 : vector<8xi32>
    %sign3A_85 = arith.constant 0 : i32
    %sign3A_86 = arith.cmpi sgt, %jit3A_75, %sign3A_85 : i32
    %sign3A_87 = arith.extui %sign3A_86 : i1 to i32
    %sign3A_88 = arith.constant 0 : i32
    %sign3A_89 = arith.cmpi slt, %jit3A_75, %sign3A_88 : i32
    %sign3A_90 = arith.extui %sign3A_89 : i1 to i32
    %sign3A_91 = arith.subi %sign3A_87, %sign3A_90 : i32
    %ne3A = vector.broadcast %sign3A_91 : i32 to vector<8xi32>
    %ne3A_92 = arith.cmpi ne, %sign3A_84, %ne3A : vector<8xi32>
    %rem3A = vector.broadcast %jit3A_75 : i32 to vector<8xi32>
    %rem3A_93 = arith.remsi %sub3A_74, %rem3A : vector<8xi32>
    %ne3A_94 = arith.constant 0 : i32
    %ne3A_95 = vector.broadcast %ne3A_94 : i32 to vector<8xi32>
    %ne3A_96 = arith.cmpi ne, %rem3A_93, %ne3A_95 : vector<8xi32>
    %and3A = arith.andi %ne3A_92, %ne3A_96 : vector<8xi1>
    %sub3A_97 = arith.constant 1 : i32
    %sub3A_98 = vector.broadcast %sub3A_97 : i32 to vector<8xi32>
    %sub3A_99 = arith.subi %div3A_76, %sub3A_98 : vector<8xi32>
    %select_n3A_100 = arith.select %and3A, %sub3A_99, %div3A_76 : vector<8xi1>, vector<8xi32>
    %mul3A_101 = arith.constant 512 : i32
    %mul3A_102 = vector.broadcast %mul3A_101 : i32 to vector<8xi32>
    %mul3A_103 = arith.muli %select_n3A_100, %mul3A_102 : vector<8xi32>
    %iota3A_104 = tpu.iota {dimensions = array<i32: 1>} : vector<8x8xi32>
    %iota3A_105 = tpu.iota {dimensions = array<i32: 0>} : vector<8x8xi32>
    %le3A = arith.cmpi sle, %iota3A_104, %iota3A_105 : vector<8x8xi32>
    %convert_element_type3A_106 = arith.extui %le3A : vector<8x8xi1> to vector<8x8xi32>
    %broadcast_in_dim3A_107 = vector.shape_cast %mul3A_103 : vector<8xi32> to vector<1x8xi32>
    %mul3A_108 = vector.broadcast %broadcast_in_dim3A_107 : vector<1x8xi32> to vector<8x8xi32>
    %mul3A_109 = arith.muli %convert_element_type3A_106, %mul3A_108 : vector<8x8xi32>
    %reduce_sum3A_110 = arith.constant dense<0> : vector<8xi32>
    %reduce_sum3A_111 = vector.multi_reduction <add>, %mul3A_109, %reduce_sum3A_110 [1] : vector<8x8xi32> to vector<8xi32>
    %sub3A_112 = arith.subi %reduce_sum3A_111, %mul3A_103 : vector<8xi32>
    %broadcast_in_dim3A_113 = vector.shape_cast %sub3A_112 : vector<8xi32> to vector<1x8xi32>
    %mul3A_114 = vector.broadcast %broadcast_in_dim3A_113 : vector<1x8xi32> to vector<2048x8xi32>
    %mul3A_115 = arith.muli %convert_element_type3A, %mul3A_114 : vector<2048x8xi32>
    %reduce_sum3A_116 = arith.constant dense<0> : vector<2048xi32>
    %reduce_sum3A_117 = vector.multi_reduction <add>, %mul3A_115, %reduce_sum3A_116 [1] : vector<2048x8xi32> to vector<2048xi32>
    %add3A_118 = arith.addi %reduce_sum3A_117, %sub3A_68 : vector<2048xi32>
    %swap3A_119 = arith.constant 0 : index
    %swap3A_120 = vector.load %arg2[%swap3A_119] : memref<2048xi32, #tpu.memory_space<vmem>>, vector<2048xi32>
    tpu.vector_store %arg2[%swap3A_119], %add3A_118 {strides = array<i32>} : memref<2048xi32, #tpu.memory_space<vmem>>, vector<2048xi32>,
    %reduce_sum3A_121 = vector.shape_cast %mul3A_103 : vector<8xi32> to vector<1x8xi32>
    %reduce_sum3A_122 = arith.constant dense<0> : vector<1xi32>
    %reduce_sum3A_123 = vector.multi_reduction <add>, %reduce_sum3A_121, %reduce_sum3A_122 [1] : vector<1x8xi32> to vector<1xi32>
    %reduce_sum3A_124 = vector.shape_cast %reduce_sum3A_123 : vector<1xi32> to vector<1x1xi32>
    %reduce_sum3A_125 = vector.extract %reduce_sum3A_124[0, 0] : i32 from vector<1x1xi32>
    %iota3A_126 = tpu.iota {dimensions = array<i32: 1>} : vector<1x12xi32>
    %iota3A_127 = vector.shape_cast %iota3A_126 : vector<1x12xi32> to vector<12xi32>
    %mul3A_128 = arith.constant 512 : i32
    %mul3A_129 = vector.broadcast %mul3A_128 : i32 to vector<12xi32>
    %mul3A_130 = arith.muli %iota3A_127, %mul3A_129 : vector<12xi32>
    %broadcast_in_dim3A_131 = vector.shape_cast %reduce_sum3A_111 : vector<8xi32> to vector<1x8xi32>
    %broadcast_in_dim3A_132 = vector.shape_cast %mul3A_130 : vector<12xi32> to vector<12x1xi32>
    %le3A_133 = vector.broadcast %broadcast_in_dim3A_131 : vector<1x8xi32> to vector<12x8xi32>
    %le3A_134 = vector.broadcast %broadcast_in_dim3A_132 : vector<12x1xi32> to vector<12x8xi32>
    %le3A_135 = arith.cmpi sle, %le3A_133, %le3A_134 : vector<12x8xi32>
    %convert_element_type3A_136 = arith.extui %le3A_135 : vector<12x8xi1> to vector<12x8xi32>
    %reduce_sum3A_137 = arith.constant dense<0> : vector<12xi32>
    %reduce_sum3A_138 = vector.multi_reduction <add>, %convert_element_type3A_136, %reduce_sum3A_137 [1] : vector<12x8xi32> to vector<12xi32>
    %sub3A_139 = arith.constant 512 : i32
    %sub3A_140 = arith.subi %reduce_sum3A_125, %sub3A_139 : i32
    %le3A_141 = vector.broadcast %sub3A_140 : i32 to vector<8xi32>
    %le3A_142 = arith.cmpi sle, %reduce_sum3A_111, %le3A_141 : vector<8xi32>
    %convert_element_type3A_143 = arith.extui %le3A_142 : vector<8xi1> to vector<8xi32>
    %reduce_sum3A_144 = vector.shape_cast %convert_element_type3A_143 : vector<8xi32> to vector<1x8xi32>
    %reduce_sum3A_145 = arith.constant dense<0> : vector<1xi32>
    %reduce_sum3A_146 = vector.multi_reduction <add>, %reduce_sum3A_144, %reduce_sum3A_145 [1] : vector<1x8xi32> to vector<1xi32>
    %reduce_sum3A_147 = vector.shape_cast %reduce_sum3A_146 : vector<1xi32> to vector<1x1xi32>
    %reduce_sum3A_148 = vector.extract %reduce_sum3A_147[0, 0] : i32 from vector<1x1xi32>
    %lt3A = vector.broadcast %reduce_sum3A_125 : i32 to vector<12xi32>
    %lt3A_149 = arith.cmpi slt, %mul3A_130, %lt3A : vector<12xi32>
    %broadcast_in_dim3A_150 = vector.broadcast %reduce_sum3A_148 : i32 to vector<12xi32>
    %select_n3A_151 = arith.select %lt3A_149, %reduce_sum3A_138, %broadcast_in_dim3A_150 : vector<12xi1>, vector<12xi32>
    %swap3A_152 = arith.constant 0 : index
    %swap3A_153 = vector.load %arg3[%swap3A_152] : memref<12xi32, #tpu.memory_space<vmem>>, vector<12xi32>
    tpu.vector_store %arg3[%swap3A_152], %select_n3A_151 {strides = array<i32>} : memref<12xi32, #tpu.memory_space<vmem>>, vector<12xi32>,
    %broadcast_in_dim3A_154 = vector.shape_cast %select_n3A_151 : vector<12xi32> to vector<12x1xi32>
    %iota3A_155 = tpu.iota {dimensions = array<i32: 1>} : vector<12x8xi32>
    %eq3A_156 = vector.broadcast %broadcast_in_dim3A_154 : vector<12x1xi32> to vector<12x8xi32>
    %eq3A_157 = arith.cmpi eq, %eq3A_156, %iota3A_155 : vector<12x8xi32>
    %convert_element_type3A_158 = arith.extui %eq3A_157 : vector<12x8xi1> to vector<12x8xi32>
    %broadcast_in_dim3A_159 = vector.shape_cast %reduce_sum3A_12 : vector<8xi32> to vector<1x8xi32>
    %mul3A_160 = vector.broadcast %broadcast_in_dim3A_159 : vector<1x8xi32> to vector<12x8xi32>
    %mul3A_161 = arith.muli %convert_element_type3A_158, %mul3A_160 : vector<12x8xi32>
    %reduce_sum3A_162 = arith.constant dense<0> : vector<12xi32>
    %reduce_sum3A_163 = vector.multi_reduction <add>, %mul3A_161, %reduce_sum3A_162 [1] : vector<12x8xi32> to vector<12xi32>
    %broadcast_in_dim3A_164 = vector.shape_cast %sub3A_112 : vector<8xi32> to vector<1x8xi32>
    %mul3A_165 = vector.broadcast %broadcast_in_dim3A_164 : vector<1x8xi32> to vector<12x8xi32>
    %mul3A_166 = arith.muli %convert_element_type3A_158, %mul3A_165 : vector<12x8xi32>
    %reduce_sum3A_167 = arith.constant dense<0> : vector<12xi32>
    %reduce_sum3A_168 = vector.multi_reduction <add>, %mul3A_166, %reduce_sum3A_167 [1] : vector<12x8xi32> to vector<12xi32>
    %sub3A_169 = arith.subi %mul3A_130, %reduce_sum3A_168 : vector<12xi32>
    %sub3A_170 = arith.subi %reduce_sum3A_163, %sub3A_169 : vector<12xi32>
    %jit3A_171 = arith.constant 0 : i32
    %jit3A_172 = arith.constant 512 : i32
    %max3A = vector.broadcast %jit3A_171 : i32 to vector<12xi32>
    %max3A_173 = arith.maxsi %max3A, %sub3A_170 : vector<12xi32>
    %min3A = vector.broadcast %jit3A_172 : i32 to vector<12xi32>
    %min3A_174 = arith.minsi %min3A, %max3A_173 : vector<12xi32>
    %swap3A_175 = arith.constant 0 : index
    %swap3A_176 = vector.load %arg4[%swap3A_175] : memref<12xi32, #tpu.memory_space<vmem>>, vector<12xi32>
    tpu.vector_store %arg4[%swap3A_175], %min3A_174 {strides = array<i32>} : memref<12xi32, #tpu.memory_space<vmem>>, vector<12xi32>,
    %jit3A_177 = arith.constant 512 : i32
    %div3A_178 = arith.divsi %reduce_sum3A_125, %jit3A_177 : i32
    %sign3A_179 = arith.constant 0 : i32
    %sign3A_180 = arith.cmpi sgt, %reduce_sum3A_125, %sign3A_179 : i32
    %sign3A_181 = arith.extui %sign3A_180 : i1 to i32
    %sign3A_182 = arith.constant 0 : i32
    %sign3A_183 = arith.cmpi slt, %reduce_sum3A_125, %sign3A_182 : i32
    %sign3A_184 = arith.extui %sign3A_183 : i1 to i32
    %sign3A_185 = arith.subi %sign3A_181, %sign3A_184 : i32
    %sign3A_186 = arith.constant 0 : i32
    %sign3A_187 = arith.cmpi sgt, %jit3A_177, %sign3A_186 : i32
    %sign3A_188 = arith.extui %sign3A_187 : i1 to i32
    %sign3A_189 = arith.constant 0 : i32
    %sign3A_190 = arith.cmpi slt, %jit3A_177, %sign3A_189 : i32
    %sign3A_191 = arith.extui %sign3A_190 : i1 to i32
    %sign3A_192 = arith.subi %sign3A_188, %sign3A_191 : i32
    %ne3A_193 = arith.cmpi ne, %sign3A_185, %sign3A_192 : i32
    %rem3A_194 = arith.remsi %reduce_sum3A_125, %jit3A_177 : i32
    %ne3A_195 = arith.constant 0 : i32
    %ne3A_196 = arith.cmpi ne, %rem3A_194, %ne3A_195 : i32
    %and3A_197 = arith.andi %ne3A_193, %ne3A_196 : i1
    %sub3A_198 = arith.constant 1 : i32
    %sub3A_199 = arith.subi %div3A_178, %sub3A_198 : i32
    %select_n3A_200 = arith.select %and3A_197, %sub3A_199, %div3A_178 : i32
    %iota3A_201 = tpu.iota {dimensions = array<i32: 1>} : vector<1x12xi32>
    %iota3A_202 = vector.shape_cast %iota3A_201 : vector<1x12xi32> to vector<12xi32>
    %sub3A_203 = arith.constant 1 : i32
    %sub3A_204 = arith.subi %select_n3A_200, %sub3A_203 : i32
    %min3A_205 = vector.broadcast %sub3A_204 : i32 to vector<12xi32>
    %min3A_206 = arith.minsi %iota3A_202, %min3A_205 : vector<12xi32>
    %swap3A_207 = arith.constant 0 : index
    %swap3A_208 = vector.load %arg5[%swap3A_207] : memref<12xi32, #tpu.memory_space<vmem>>, vector<12xi32>
    tpu.vector_store %arg5[%swap3A_207], %min3A_206 {strides = array<i32>} : memref<12xi32, #tpu.memory_space<vmem>>, vector<12xi32>,
    return
  }
}

module attributes {stable_mosaic.version = 14 : i64} {
  func.func @_ffn_body(%arg0: i32, %arg1: memref<12xi32, #tpu.memory_space<smem>>, %arg2: memref<12xi32, #tpu.memory_space<smem>>, %arg3: memref<12xi32, #tpu.memory_space<smem>>, %arg4: memref<512x768xf32, #tpu.memory_space<vmem>>, %arg5: memref<1x1536x768xf32, #tpu.memory_space<vmem>>, %arg6: memref<1x1x1536xf32, #tpu.memory_space<vmem>>, %arg7: memref<1x768x1536xf32, #tpu.memory_space<vmem>>, %arg8: memref<1x1x768xf32, #tpu.memory_space<vmem>>, %arg9: memref<512x768xf32, #tpu.memory_space<vmem>>) attributes {dimension_semantics = [#tpu.dimension_semantics<arbitrary>], iteration_bounds = array<i64: 12>, scalar_prefetch = 3 : i64, scratch_operands = 0 : i64, tpu.core_type = #tpu.core_type<tc>, window_params = [{transform_indices = @transform_0, window_bounds = array<i64: 512, 768>}, {transform_indices = @transform_1, window_bounds = array<i64: 1, 1536, 768>}, {transform_indices = @transform_2, window_bounds = array<i64: 1, 1, 1536>}, {transform_indices = @transform_3, window_bounds = array<i64: 1, 768, 1536>}, {transform_indices = @transform_4, window_bounds = array<i64: 1, 1, 768>}, {transform_indices = @transform_5, window_bounds = array<i64: 512, 768>}]} {
    %get3A = arith.index_cast %arg0 : i32 to index
    %get3A_0 = memref.load %arg2[%get3A] : memref<12xi32, #tpu.memory_space<smem>>
    %gt3A = arith.constant 0 : i32
    %gt3A_1 = arith.cmpi sgt, %get3A_0, %gt3A : i32
    %convert_element_type3A = arith.extui %gt3A_1 : i1 to i32
    %cond3A = arith.constant 0 : i32
    %cond3A_2 = arith.cmpi ne, %convert_element_type3A, %cond3A : i32
    scf.if %cond3A_2 {
      %get3A_3 = arith.constant 0 : index
      %get3A_4 = arith.constant 0 : index
      %get3A_5 = vector.load %arg4[%get3A_3, %get3A_4] : memref<512x768xf32, #tpu.memory_space<vmem>>, vector<512x768xf32>
      %get3A_6 = arith.constant 0 : index
      %get3A_7 = arith.constant 0 : index
      %get3A_8 = arith.constant 0 : index
      %get3A_9 = vector.load %arg5[%get3A_6, %get3A_7, %get3A_8] : memref<1x1536x768xf32, #tpu.memory_space<vmem>>, vector<1x1536x768xf32>
      %get3A_10 = vector.shape_cast %get3A_9 : vector<1x1536x768xf32> to vector<1536x768xf32>
      %dot_general3A = arith.constant dense<0.000000e+00> : vector<512x1536xf32>
      %dot_general3A_11 = tpu.matmul %get3A_5, %get3A_10, %dot_general3A {dimension_numbers = #tpu.dot_dimension_numbers<[1], [1], [0], [0], [0, 0, 1, 0], [], []>, transpose_lhs_hint = false} : vector<512x768xf32>, vector<1536x768xf32>, vector<512x1536xf32> -> vector<512x1536xf32>
      %get3A_12 = arith.constant 0 : index
      %get3A_13 = arith.constant 0 : index
      %get3A_14 = arith.constant 0 : index
      %get3A_15 = vector.load %arg6[%get3A_12, %get3A_13, %get3A_14] : memref<1x1x1536xf32, #tpu.memory_space<vmem>>, vector<1x1x1536xf32>
      %get3A_16 = vector.shape_cast %get3A_15 : vector<1x1x1536xf32> to vector<1x1536xf32>
      %add3A = vector.broadcast %get3A_16 : vector<1x1536xf32> to vector<512x1536xf32>
      %add3A_17 = arith.addf %dot_general3A_11, %add3A : vector<512x1536xf32>
      %max3A = arith.constant 0.000000e+00 : f32
      %max3A_18 = vector.broadcast %max3A : f32 to vector<512x1536xf32>
      %max3A_19 = arith.maximumf %add3A_17, %max3A_18 : vector<512x1536xf32>
      %get3A_20 = arith.constant 0 : index
      %get3A_21 = arith.constant 0 : index
      %get3A_22 = arith.constant 0 : index
      %get3A_23 = vector.load %arg7[%get3A_20, %get3A_21, %get3A_22] : memref<1x768x1536xf32, #tpu.memory_space<vmem>>, vector<1x768x1536xf32>
      %get3A_24 = vector.shape_cast %get3A_23 : vector<1x768x1536xf32> to vector<768x1536xf32>
      %dot_general3A_25 = arith.constant dense<0.000000e+00> : vector<512x768xf32>
      %dot_general3A_26 = tpu.matmul %max3A_19, %get3A_24, %dot_general3A_25 {dimension_numbers = #tpu.dot_dimension_numbers<[1], [1], [0], [0], [0, 0, 1, 0], [], []>, transpose_lhs_hint = false} : vector<512x1536xf32>, vector<768x1536xf32>, vector<512x768xf32> -> vector<512x768xf32>
      %get3A_27 = arith.constant 0 : index
      %get3A_28 = arith.constant 0 : index
      %get3A_29 = arith.constant 0 : index
      %get3A_30 = vector.load %arg8[%get3A_27, %get3A_28, %get3A_29] : memref<1x1x768xf32, #tpu.memory_space<vmem>>, vector<1x1x768xf32>
      %get3A_31 = vector.shape_cast %get3A_30 : vector<1x1x768xf32> to vector<1x768xf32>
      %add3A_32 = vector.broadcast %get3A_31 : vector<1x768xf32> to vector<512x768xf32>
      %add3A_33 = arith.addf %dot_general3A_26, %add3A_32 : vector<512x768xf32>
      %swap3A = arith.constant 0 : index
      %swap3A_34 = arith.constant 0 : index
      %swap3A_35 = vector.load %arg9[%swap3A, %swap3A_34] : memref<512x768xf32, #tpu.memory_space<vmem>>, vector<512x768xf32>
      tpu.vector_store %arg9[%swap3A, %swap3A_34], %add3A_33 {strides = array<i32>} : memref<512x768xf32, #tpu.memory_space<vmem>>, vector<512x768xf32>,
    } else {
    }
    return
  }
  func.func @transform_0(%arg0: i32, %arg1: memref<12xi32, #tpu.memory_space<smem>>, %arg2: memref<12xi32, #tpu.memory_space<smem>>, %arg3: memref<12xi32, #tpu.memory_space<smem>>) -> (i32, i32) {
    %get3A = arith.index_cast %arg0 : i32 to index
    %get3A_0 = memref.load %arg3[%get3A] : memref<12xi32, #tpu.memory_space<smem>>
    %c0_i32 = arith.constant 0 : i32
    %c0_i32_1 = arith.constant 0 : i32
    return %get3A_0, %c0_i32 : i32, i32
  }
  func.func @transform_1(%arg0: i32, %arg1: memref<12xi32, #tpu.memory_space<smem>>, %arg2: memref<12xi32, #tpu.memory_space<smem>>, %arg3: memref<12xi32, #tpu.memory_space<smem>>) -> (i32, i32, i32) {
    %get3A = arith.index_cast %arg0 : i32 to index
    %get3A_0 = memref.load %arg1[%get3A] : memref<12xi32, #tpu.memory_space<smem>>
    %c0_i32 = arith.constant 0 : i32
    %c0_i32_1 = arith.constant 0 : i32
    %c0_i32_2 = arith.constant 0 : i32
    return %get3A_0, %c0_i32, %c0_i32_1 : i32, i32, i32
  }
  func.func @transform_2(%arg0: i32, %arg1: memref<12xi32, #tpu.memory_space<smem>>, %arg2: memref<12xi32, #tpu.memory_space<smem>>, %arg3: memref<12xi32, #tpu.memory_space<smem>>) -> (i32, i32, i32) {
    %get3A = arith.index_cast %arg0 : i32 to index
    %get3A_0 = memref.load %arg1[%get3A] : memref<12xi32, #tpu.memory_space<smem>>
    %c0_i32 = arith.constant 0 : i32
    %c0_i32_1 = arith.constant 0 : i32
    %c0_i32_2 = arith.constant 0 : i32
    return %get3A_0, %c0_i32, %c0_i32_1 : i32, i32, i32
  }
  func.func @transform_3(%arg0: i32, %arg1: memref<12xi32, #tpu.memory_space<smem>>, %arg2: memref<12xi32, #tpu.memory_space<smem>>, %arg3: memref<12xi32, #tpu.memory_space<smem>>) -> (i32, i32, i32) {
    %get3A = arith.index_cast %arg0 : i32 to index
    %get3A_0 = memref.load %arg1[%get3A] : memref<12xi32, #tpu.memory_space<smem>>
    %c0_i32 = arith.constant 0 : i32
    %c0_i32_1 = arith.constant 0 : i32
    %c0_i32_2 = arith.constant 0 : i32
    return %get3A_0, %c0_i32, %c0_i32_1 : i32, i32, i32
  }
  func.func @transform_4(%arg0: i32, %arg1: memref<12xi32, #tpu.memory_space<smem>>, %arg2: memref<12xi32, #tpu.memory_space<smem>>, %arg3: memref<12xi32, #tpu.memory_space<smem>>) -> (i32, i32, i32) {
    %get3A = arith.index_cast %arg0 : i32 to index
    %get3A_0 = memref.load %arg1[%get3A] : memref<12xi32, #tpu.memory_space<smem>>
    %c0_i32 = arith.constant 0 : i32
    %c0_i32_1 = arith.constant 0 : i32
    %c0_i32_2 = arith.constant 0 : i32
    return %get3A_0, %c0_i32, %c0_i32_1 : i32, i32, i32
  }
  func.func @transform_5(%arg0: i32, %arg1: memref<12xi32, #tpu.memory_space<smem>>, %arg2: memref<12xi32, #tpu.memory_space<smem>>, %arg3: memref<12xi32, #tpu.memory_space<smem>>) -> (i32, i32) {
    %get3A = arith.index_cast %arg0 : i32 to index
    %get3A_0 = memref.load %arg3[%get3A] : memref<12xi32, #tpu.memory_space<smem>>
    %c0_i32 = arith.constant 0 : i32
    %c0_i32_1 = arith.constant 0 : i32
    return %get3A_0, %c0_i32 : i32, i32
  }
}

</mosaic_0001>

<sc_bundles>
// kernel: sc_dispatch_scatter.3.cloned.1.call-start
scs
__scs_entry_jumppad:
0x0: {  	(pc) =	sbr.rel $0x88, $3  }
0x1: {  	(tag) =	ssettag $0x0;
	lr =	simm.s32 $0x1  }
0x2: {  	[smem:$0x3F9C] =	sst lr;
	_ =	strace $0xD0000000  }
0x3: {  	_ = 	snop  }
0x4: {  	_ = 	snop  }
0x5: {  	_ = 	snop  }
0x6: {  	_ = 	snop  }
0x7: {  	_ = 	snop  }
__scs_overlays_trampoline_lowered:
0x8: {  	[smem:$0x3FAB] =	sst s0  }
0x9: {  	[smem:$0x3FAC] =	sst s1  }
0xa: {  	[smem:$0x3FAD] =	sst s2  }
0xb: {  	[smem:$0x3FAE] =	sst s3  }
0xc: {  	[smem:$0x3FAF] =	sst s4  }
0xd: {  	[smem:$0x3FB0] =	sst s5  }
0xe: {  	[smem:$0x3FB1] =	sst s6  }
0xf: {  	[smem:$0x3FB2] =	sst s7  }
0x10: {  	[smem:$0x3FB3] =	sst s8  }
0x11: {  	[smem:$0x3FB4] =	sst s9;
	s0 =	simm.s32 @!p0 $0x0  }
0x12: {  	s1 =	sld [smem:$0x3F9A];
	s0 =	simm.s32 @p0 $0x1  }
0x13: {  	[smem:$0x3FB5] =	sst s0;
	s0 =	simm.s32 @!p1 $0x0  }
0x14: {  	s2 =	sld [smem:$0x3F99];
	s0 =	simm.s32 @p1 $0x1  }
0x15: {  	[smem:$0x3FB6] =	sst s0;
	s0 =	simm.s32 @!p2 $0x0  }
0x16: {  	s3 =	sld [smem:$0x3FDB];
	s0 =	simm.s32 @p2 $0x1  }
0x17: {  	s4 =	simm.s32 $0x1BF5;
	[smem:$0x3FB8] =	sst s0  }
0x18: {  	s0 =	sld [smem:$0x3F9B];
	_ =	swait.ge [sflag:s4], $0x0  }
0x19: {  	s7 =	sld [smem:$0x3F9C]  }
0x1a: {  	s8 =	sadd.s32 $0xFFFFE003, lr  }
0x1b: {  	s9 =	sadd.s32 $0xFFFFFEF7, lr;
	s5 =	simm.s32 $0xFFFFFFFF;
	p2 =	slt.u32 s8, $0xFFFFF086  }
0x1c: {  	p1 =	slt.u32 s9, $0xF7A;
	s5 =	simm.s32 @!p2 $0x0  }
0x1d: {  	s5 =	simm.s32 @p1 $0x1;
	p0 =	seq.s32 s7, s2  }
0x1e: {  	s7 =	smul.u32 @!p0 $0xF7A, s2;
	p2 =	seq.s32 @!p0 s5, $0x0  }
0x1f: {  	s9 =	smul.u32 $0xF7A, s1;
	s8 =	simm.s32 @!p0 $0x1BF5;
	p2 =	por !p2, p0  }
0x20: {  	[sflag:s8] =	ssyncset.s32 @!p0 $0xFFFFF086;
	s6 =	sadd.s32 @!p0 s3, s7;
	s7 =	simm.s32 @!p0 $0x108  }
0x21: {  	s3 =	sadd.s32 s3, s9;
	s6 =	sadd.s32 @!p0 $0x88, s6;
	s7 =	simm.s32 @p2 $0x1082  }
0x22: {  	[simem:s7], [sflag:s8] =	dma.local @!p0 [hbm:s6], $0xF7A  }
0x23: {  	s9 =	sor.u32 $0xD0000000, s2;
	s6 =	simm.s32 $0x108;
	_ =	swait.ge @!p0 [sflag:s8], $0x0  }
0x24: {  	s3 =	sadd.s32 $0x88, s3;
	s6 =	simm.s32 @!p1 $0x1082;
	[sflag:s4] =	ssyncset.s32 $0xFFFFF086  }
0x25: {  	[simem:s6], [sflag:s4] =	dma.local [hbm:s3], $0xF7A  }
0x26: {  	[smem:$0x3F9C] =	sst s1;
	(tag) =	ssettag s2;
	_ =	strace s9  }
0x27: {  	s1 =	sld [smem:$0x3FAC]  }
0x28: {  	s2 =	sld [smem:$0x3FAD]  }
0x29: {  	s4 =	sld [smem:$0x3FAF]  }
0x2a: {  	p0 =	seq.s32 s5, $0x0;
	s5 =	sld [smem:$0x3FB0]  }
0x2b: {  	s6 =	sld [smem:$0x3FB1]  }
0x2c: {  	s7 =	sld [smem:$0x3FB2]  }
0x2d: {  	s3 =	simm.s32 $0x108;
	s8 =	sld [smem:$0x3FB3]  }
0x2e: {  	s3 =	simm.s32 @!p0 $0x1082;
	s9 =	sld [smem:$0x3FB4]  }
0x2f: {  	lr =	sadd.s32 s0, s3;
	s0 =	sld [smem:$0x3FAB]  }
0x30: {  	s3 =	sld [smem:$0x3FAE]  }
0x31: {  	[smem:$0x3FB7] =	sst s10  }
0x32: {  	s10 =	sld [smem:$0x3FB5];
	_ =	sdelay $0x3  }
0x33: {  	p0 =	seq.s32 s10, $0x1;
	s10 =	sld [smem:$0x3FB7];
	_ =	sdelay $0x3  }
0x34: {  	[smem:$0x3FB7] =	sst s10  }
0x35: {  	s10 =	sld [smem:$0x3FB6];
	_ =	sdelay $0x3  }
0x36: {  	p1 =	seq.s32 s10, $0x1;
	s10 =	sld [smem:$0x3FB7];
	_ =	sdelay $0x3  }
0x37: {  	[smem:$0x3FB7] =	sst s10  }
0x38: {  	s10 =	sld [smem:$0x3FB8]  }
0x39: {  	_ = 	snop;
	(pc) =	sbr.ind lr, $3  }
0x3a: {  	_ = 	snop  }
0x3b: {  	_ = 	snop  }
0x3c: {  	p2 =	seq.s32 s10, $0x1;
	s10 =	sld [smem:$0x3FB7]  }
0x3d: {  	_ =	shalt  }
0x3e: {  	_ =	shalt  }
0x3f: {  	_ =	shalt  }
0x40: {  	_ =	shalt  }
0x41: {  	_ =	shalt  }
0x42: {  	_ =	shalt  }
0x43: {  	_ =	shalt  }
0x44: {  	_ =	shalt  }
0x45: {  	_ =	shalt  }
0x46: {  	_ =	shalt  }
0x47: {  	_ =	shalt  }
0x48: {  	_ =	shalt  }
0x49: {  	_ =	shalt  }
0x4a: {  	_ =	shalt  }
0x4b: {  	_ =	shalt  }
0x4c: {  	_ =	shalt  }
0x4d: {  	_ =	shalt  }
0x4e: {  	_ =	shalt  }
0x4f: {  	_ =	shalt  }
0x50: {  	_ =	shalt  }
0x51: {  	_ =	shalt  }
0x52: {  	_ =	shalt  }
0x53: {  	_ =	shalt  }
0x54: {  	_ =	shalt  }
0x55: {  	_ =	shalt  }
0x56: {  	_ =	shalt  }
0x57: {  	_ =	shalt  }
0x58: {  	_ =	shalt  }
0x59: {  	_ =	shalt  }
0x5a: {  	_ =	shalt  }
0x5b: {  	_ =	shalt  }
0x5c: {  	_ =	shalt  }
0x5d: {  	_ =	shalt  }
0x5e: {  	_ =	shalt  }
0x5f: {  	_ =	shalt  }
0x60: {  	_ =	shalt  }
0x61: {  	_ =	shalt  }
0x62: {  	_ =	shalt  }
0x63: {  	_ =	shalt  }
0x64: {  	_ =	shalt  }
0x65: {  	_ =	shalt  }
0x66: {  	_ =	shalt  }
0x67: {  	_ =	shalt  }
0x68: {  	_ =	shalt  }
0x69: {  	_ =	shalt  }
0x6a: {  	_ =	shalt  }
0x6b: {  	_ =	shalt  }
0x6c: {  	_ =	shalt  }
0x6d: {  	_ =	shalt  }
0x6e: {  	_ =	shalt  }
0x6f: {  	_ =	shalt  }
0x70: {  	_ =	shalt  }
0x71: {  	_ =	shalt  }
0x72: {  	_ =	shalt  }
0x73: {  	_ =	shalt  }
0x74: {  	_ =	shalt  }
0x75: {  	_ =	shalt  }
0x76: {  	_ =	shalt  }
0x77: {  	_ =	shalt  }
0x78: {  	_ =	shalt  }
0x79: {  	_ =	shalt  }
0x7a: {  	_ =	shalt  }
0x7b: {  	_ =	shalt  }
0x7c: {  	_ =	shalt  }
0x7d: {  	_ =	shalt  }
0x7e: {  	_ =	shalt  }
0x7f: {  	_ =	shalt  }
0x80: {  	_ =	shalt  }
0x81: {  	_ =	shalt  }
0x82: {  	_ =	shalt  }
0x83: {  	_ =	shalt  }
0x84: {  	_ =	shalt  }
0x85: {  	_ =	shalt  }
0x86: {  	_ =	shalt  }
0x87: {  	_ =	shalt  }
.Lfunc_end0:
.L_simem_size_0:
called_computation_lowered:
.L_overlay_start_0:
0x88: {  	s2 =	sld [smem:$0x3FD9]  }
0x89: {  	s3 =	sld [smem:$0x3FFE];
	_ =	sdelay $0x1  }
0x8a: {  	s1 =	srdreg.scid  }
0x8b: {  	s0 =	sand.u32 $0x1, s1  }
0x8c: {  	s17 =	sshll.u32 s0, $0xA;
	s2 =	sadd.s32 s3, s2  }
0x8d: {  	s2 =	sadd.s32 s2, s17  }
0x8e: {  	[smem:$0x3FC3] =	sst s2  }
0x8f: {  	_ = 	snop  }
0x90: {  	s2 =	sld [smem:$0x3FC9];
	(tm) =	ssettm $0x1  }
0x91: {  	s18 =	sld [smem:$0x3FFB];
	_ =	sdelay $0x3  }
0x92: {  	_ =	strace s18  }
0x93: {  	s3 =	sld [smem:$0x3FFC];
	_ =	sdelay $0x3  }
0x94: {  	_ =	strace s3  }
0x95: {  	s3 =	sld [smem:$0x3FFD];
	_ =	sdelay $0x3  }
0x96: {  	_ =	strace s3  }
0x97: {  	_ =	strace $0x8FFFFFFF  }
0x98: {  	s19 =	sld [smem:$0x3FDB];
	_ =	sdelay $0x1  }
0x99: {  	s4 =	simm.s32 $_scs_section_size  }
0x9a: {  	s5 =	simm.s32 $_size__tile_overlayer_lowered;
	s6 =	simm.s32 $_tile_overlayer_lowered  }
0x9b: {  	s22 =	simm.s32 $0x1BFF;
	s21 =	sshll.u32 s6, $0x1;
	s3 =	sadd.s32 s4, s19  }
0x9c: {  	s7 =	simm.s32 $0x0;
	s20 =	sshll.u32 s5, $0x1;
	s5 =	sadd.s32 s21, s3  }
0x9d: {  	[timem:s7], [sflag:s22] =	dma.local [hbm:s5], s20  }
0x9e: {  	_ =	swait.ge [sflag:s22], s20  }
0x9f: {  	s4 =	ssub.s32 $0x0, s20;
	[sflag:s22] =	ssyncset.done $0x0  }
0xa0: {  	[sflag:s22] =	ssyncadd.s32 s4;
	_ =	sdelay $0x1  }
0xa1: {  	s23 =	simm.s32 $0x1B8B  }
0xa2: {  	_ =	swait.ge [sflag:s23], $0x1  }
0xa3: {  	[sflag:s23] =	ssyncset.done $0x0  }
0xa4: {  	s25 =	simm.s32 $0x1B8E;
	s24 =	sld [smem:$0x3FFE];
	[sflag:s23] =	ssyncadd.s32 $0xFFFFFFFF  }
0xa5: {  	s26 =	simm.s32 $execute0_lowered;
	[smem:$0x3FD2] =	sst s25  }
0xa6: {  	s5 =	sshll.u32 s26, $0x1;
	_ =	strace $0x80000046;
	[dreg:$0x1] =	wrdreg $0xFFFFFFFF  }
0xa7: {  	s28 =	simm.s32 $_size_execute0_lowered;
	s3 =	sadd.s32 s3, s5;
	[dreg:$0x0] =	wrdreg $0x0  }
0xa8: {  	s5 =	sshll.u32 s28, $0x1;
	[dreg:$0x2] =	wrdreg s3  }
0xa9: {  	[dreg:$0x3] =	wrdreg s5  }
0xaa: {  	[dreg:$0x4] =	wrdreg $0xC0  }
0xab: {  	_ =	task [dreg:s7], $0x5FFFF  }
0xac: {  	[dreg:$0x1] =	wrdreg $0xFFFFFFFF  }
0xad: {  	[dreg:$0x0] =	wrdreg $0x60  }
0xae: {  	[dreg:$0x2] =	wrdreg s2  }
0xaf: {  	[dreg:$0x3] =	wrdreg s24  }
0xb0: {  	[dreg:$0x4] =	wrdreg $0x9  }
0xb1: {  	_ =	task.clear_ibuf [dreg:s7], $0x5FFFF;
	_ =	strace $0x90000046  }
0xb2: {  	s29 =	simm.s32 $0x9;
	_ =	strace $0x80000048  }
0xb3: {  	_ =	swait.ge [sflag:s29], $0x1  }
0xb4: {  	[sflag:s29] =	ssyncadd.s32 $0xFFFFFFFF  }
0xb5: {  	_ =	strace $0x90000048  }
0xb6: {  	_ =	sfence  }
0xb7: {  	s30 =	sld [smem:$0x0];
	_ =	sdelay $0x2  }
0xb8: {  	s31 =	sshll.u32 s1, $0xD;
	s1 =	sshrl.u32 s1, $0x2  }
0xb9: {  	s3 =	sand.u32 $0x4000, s31;
	s1 =	sadd.s32 s1, s30  }
0xba: {  	s0 =	sor.u32 s3, s0;
	s1 =	sshll.u32 s1, $0x11  }
0xbb: {  	s0 =	sor.u32 s1, s0  }
0xbc: {  	s0 =	sadd.s32 $0x8F2B, s0  }
0xbd: {  	[sflag:s0] =	ssyncadd.remote.s32 $0x1  }
0xbe: {  	_ =	sfence.sel $0xFFFF  }
0xbf: {  	[dreg:$0x0] =	wrdreg $0xFFFFFFFF;
	(pc) =	sbr.abs _section_cstart, $3  }
0xc0: {  	[dreg:$0x1] =	wrdreg $0xFFFFFFFF  }
0xc1: {  	_ =	task.clear_ibuf [dreg:s7], $0x2FFFF;
	_ =	strace $0x9FFFFFFF  }
0xc2: {  	(tm) =	ssettm $0x7FFFFFFF  }
0xc3: {  	_ =	shalt  }
tec
execute0_lowered:
.L_overlay_start_1:
0x0: {  	(tag) =	ssettag $0x1  }
0x1: {  	s0 =	rddreg [dreg:$0x0]  }
0x2: {  	s5 =	rddreg [dreg:$0x1];
	s2 =	simm.s32 $0x0  }
0x3: {  	s3 =	srdreg.scid;
	s1 =	stileid.u32;
	s24 =	simm.s32 $0x900  }
0x4: {  	s25 =	simm.s32 $0x1100;
	s26 =	simm.s32 $0x1900;
	s11 =	simm.s32 $0x3100  }
0x5: {  	s12 =	simm.s32 $0x3900;
	s13 =	simm.s32 $0x4100;
	s14 =	simm.s32 $0x4900  }
0x6: {  	s15 =	simm.s32 $0x5100;
	s16 =	simm.s32 $0x5900;
	s17 =	simm.s32 $0x80  }
0x7: {  	s18 =	simm.s32 $0x6100;
	s19 =	simm.s32 $0x6900;
	s28 =	simm.s32 $0xA900  }
0x8: {  	s29 =	simm.s32 $0xB100;
	s30 =	simm.s32 $0xB900;
	s31 =	simm.s32 $0x1  }
0x9: {  	[smem:$0x7FF] =	sst s2;
	s3 =	sand.u32 $0x1, s3;
	s4 =	sshll.u32 s1, $0x4  }
0xa: {  	s7 =	sadd.s32 $0x1000, s5;
	_ =	strace $0x80000047;
	[dreg:$0x7] =	wrdreg s24  }
0xb: {  	s6 =	sshll.u32 s3, $0x3;
	s8 =	ssub.s32 $0x2, s3;
	[dreg:$0x8] =	wrdreg s25  }
0xc: {  	s3 =	sadd.s32 $0x1200, s5;
	[dreg:$0x9] =	wrdreg s26;
	s24 =	simm.s32 $0x9100  }
0xd: {  	s25 =	simm.s32 $0x9900;
	s4 =	sor.u32 s6, s4;
	s20 =	sshrl.u32 s8, $0x1  }
0xe: {  	s26 =	simm.s32 $0xA100;
	s9 =	smul.u32 $0x300, s4;
	s6 =	ssub.s32 s8, s20  }
0xf: {  	s21 =	sadd.s32 s7, s4;
	s10 =	sor.u32 $0x4, s4;
	s4 =	sadd.s32 $0x1300, s5  }
0x10: {  	s5 =	sadd.s32 $0x1400, s5;
	s8 =	simm.s32 $0x100;
	s20 =	simm.s32 $0x7100  }
0x11: {  	[dreg:$0x3] =	wrdreg s21;
	s23 =	smul.u32 $0x300, s10;
	s7 =	sadd.s32 s7, s10  }
0x12: {  	s6 =	smax.u32 s6, $0x1;
	s10 =	simm.s32 $0x2900;
	s21 =	simm.s32 $0x7900  }
0x13: {  	v2 =	vlaneseq.u32;
	s22 =	sadd.s32 s0, s9;
	[dreg:$0x5] =	wrdreg s7;
	s7 =	simm.s32 $0x3  }
0x14: {  	vm0 =	vmmov $0xffff;
	v1 =	vshrl.u32 v2, $0x3;
	[dreg:$0x4] =	wrdreg s22;
	s0 =	sadd.s32 s0, s23;
	s22 =	simm.s32 $0x8100  }
0x15: {  	v0 =	vand.u32 $0x7, v2;
	v2 =	vor.u32 $0x8, v2;
	v1 =	vmul.u32 $0x8, v1;
	s23 =	simm.s32 $0x8900;
	[dreg:$0x6] =	wrdreg s0;
	s0 =	simm.s32 $0x2  }
.LBB2_1:
0x16: {  	s1 =	rddreg [dreg:$0x3]  }
0x17: {  	[tilespmem:s2], [sflag:$0x3] =	stream.linear.gather [hbm4b:s1+s2], $0x20, $0x38;
	[tilespmem:$0xC100] =	vst v63  }
0x18: {  	_ =	swait.ge [sflag:s7], $0x20  }
0x19: {  	[sflag:s7] =	ssyncset.done $0x0  }
0x1a: {  	s9 =	rddreg [dreg:$0x4];
	[sflag:s7] =	ssyncadd.s32 $0xFFFFFFE0  }
0x1b: {  	[tilespmem:s8], [sflag:$0x3] =	stream.linear.gather [hbm4b:s9+s2], $0x6000, $0x38;
	[tilespmem:$0xC100] =	vst v63  }
0x1c: {  	_ =	swait.ge [sflag:s7], $0x6000  }
0x1d: {  	[sflag:s7] =	ssyncset.done $0x0  }
0x1e: {  	[sflag:s7] =	ssyncadd.s32 $0xFFFFA000  }
0x1f: {  	v3 =	vld [tilespmem:$0x0];
	_ =	sdelay $0x4  }
0x20: {  	v4 =	vshrl.u32 v3, $0x3  }
0x21: {  	v4 =	vmul.u32 $0x30, v4  }
0x22: {  	v3 =	vand.u32 $0x7, v3  }
0x23: {  	v3 =	vor.u32 v3, v4  }
0x24: {  	v4 =	vperm.xlane v3, v0;
	_ =	sdelay $0x1  }
0x25: {  	v4 =	vadd.s32 v1, v4;
	_ =	sdelay $0x3  }
0x26: {  	v3 =	vperm.xlane v3, v2  }
0x27: {  	[hbm4b:s3+s2] =	stream.indirect_vreg.scatter [tilespmem:s8], [sflag:$0x1], $0x80, v4, vm0, $0xb8;
	[tilespmem:$0xC100] =	vst v63  }
0x28: {  	s1 =	rddreg [dreg:$0x7];
	v3 =	vadd.s32 v1, v3  }
0x29: {  	[hbm4b:s4+s2] =	stream.indirect_vreg.scatter [tilespmem:s1], [sflag:$0x1], $0x80, v4, vm0, $0xb8;
	[tilespmem:$0xC100] =	vst v63  }
0x2a: {  	s9 =	rddreg [dreg:$0x8]  }
0x2b: {  	[hbm4b:s5+s2] =	stream.indirect_vreg.scatter [tilespmem:s9], [sflag:$0x1], $0x80, v4, vm0, $0xb8;
	[tilespmem:$0xC100] =	vst v63  }
0x2c: {  	s1 =	rddreg [dreg:$0x9]  }
0x2d: {  	[hbm4b:s3+s2] =	stream.indirect_vreg.scatter [tilespmem:s1], [sflag:$0x1], $0x80, v3, vm0, $0xb8;
	[tilespmem:$0xC100] =	vst v63  }
0x2e: {  	s9 =	simm.s32 $0x2100  }
0x2f: {  	[hbm4b:s4+s2] =	stream.indirect_vreg.scatter [tilespmem:s9], [sflag:$0x1], $0x80, v3, vm0, $0xb8;
	[tilespmem:$0xC100] =	vst v63  }
0x30: {  	_ = 	snop  }
0x31: {  	[hbm4b:s5+s2] =	stream.indirect_vreg.scatter [tilespmem:s10], [sflag:$0x1], $0x80, v3, vm0, $0xb8;
	[tilespmem:$0xC100] =	vst v63  }
0x32: {  	v3 =	vld [tilespmem:$0x10];
	_ =	sdelay $0x4  }
0x33: {  	v61 =	vshrl.u32 v3, $0x3  }
0x34: {  	v4 =	vmul.u32 $0x30, v61  }
0x35: {  	v3 =	vand.u32 $0x7, v3  }
0x36: {  	v3 =	vor.u32 v3, v4  }
0x37: {  	v4 =	vperm.xlane v3, v0;
	_ =	sdelay $0x1  }
0x38: {  	v4 =	vadd.s32 v1, v4;
	_ =	sdelay $0x3  }
0x39: {  	v3 =	vperm.xlane v3, v2  }
0x3a: {  	[hbm4b:s3+s2] =	stream.indirect_vreg.scatter [tilespmem:s11], [sflag:$0x1], $0x80, v4, vm0, $0xb8;
	[tilespmem:$0xC100] =	vst v63  }
0x3b: {  	v3 =	vadd.s32 v1, v3  }
0x3c: {  	[hbm4b:s4+s2] =	stream.indirect_vreg.scatter [tilespmem:s12], [sflag:$0x1], $0x80, v4, vm0, $0xb8;
	[tilespmem:$0xC100] =	vst v63  }
0x3d: {  	_ = 	snop  }
0x3e: {  	[hbm4b:s5+s2] =	stream.indirect_vreg.scatter [tilespmem:s13], [sflag:$0x1], $0x80, v4, vm0, $0xb8;
	[tilespmem:$0xC100] =	vst v63  }
0x3f: {  	_ = 	snop  }
0x40: {  	[hbm4b:s3+s2] =	stream.indirect_vreg.scatter [tilespmem:s14], [sflag:$0x1], $0x80, v3, vm0, $0xb8;
	[tilespmem:$0xC100] =	vst v63  }
0x41: {  	_ = 	snop  }
0x42: {  	[hbm4b:s4+s2] =	stream.indirect_vreg.scatter [tilespmem:s15], [sflag:$0x1], $0x80, v3, vm0, $0xb8;
	[tilespmem:$0xC100] =	vst v63  }
0x43: {  	_ = 	snop  }
0x44: {  	[hbm4b:s5+s2] =	stream.indirect_vreg.scatter [tilespmem:s16], [sflag:$0x1], $0x80, v3, vm0, $0xb8;
	[tilespmem:$0xC100] =	vst v63  }
0x45: {  	s9 =	rddreg [dreg:$0x5]  }
0x46: {  	[tilespmem:s17], [sflag:$0x3] =	stream.linear.gather [hbm4b:s9+s2], $0x20, $0x38;
	[tilespmem:$0xC100] =	vst v63  }
0x47: {  	_ =	swait.ge [sflag:s7], $0x20  }
0x48: {  	[sflag:s7] =	ssyncset.done $0x0  }
0x49: {  	s9 =	rddreg [dreg:$0x6];
	[sflag:s7] =	ssyncadd.s32 $0xFFFFFFE0  }
0x4a: {  	[tilespmem:s18], [sflag:$0x3] =	stream.linear.gather [hbm4b:s9+s2], $0x6000, $0x38;
	[tilespmem:$0xC100] =	vst v63  }
0x4b: {  	_ =	swait.ge [sflag:s7], $0x6000  }
0x4c: {  	[sflag:s7] =	ssyncset.done $0x0  }
0x4d: {  	[sflag:s7] =	ssyncadd.s32 $0xFFFFA000  }
0x4e: {  	v3 =	vld [tilespmem:$0x80];
	_ =	sdelay $0x4  }
0x4f: {  	v62 =	vshrl.u32 v3, $0x3  }
0x50: {  	v4 =	vmul.u32 $0x30, v62  }
0x51: {  	v3 =	vand.u32 $0x7, v3  }
0x52: {  	v3 =	vor.u32 v3, v4  }
0x53: {  	v4 =	vperm.xlane v3, v0;
	_ =	sdelay $0x1  }
0x54: {  	v4 =	vadd.s32 v1, v4;
	_ =	sdelay $0x3  }
0x55: {  	v3 =	vperm.xlane v3, v2  }
0x56: {  	[hbm4b:s3+s2] =	stream.indirect_vreg.scatter [tilespmem:s18], [sflag:$0x2], $0x80, v4, vm0, $0xb8;
	[tilespmem:$0xC100] =	vst v63  }
0x57: {  	v3 =	vadd.s32 v1, v3  }
0x58: {  	[hbm4b:s4+s2] =	stream.indirect_vreg.scatter [tilespmem:s19], [sflag:$0x2], $0x80, v4, vm0, $0xb8;
	[tilespmem:$0xC100] =	vst v63  }
0x59: {  	_ = 	snop  }
0x5a: {  	[hbm4b:s5+s2] =	stream.indirect_vreg.scatter [tilespmem:s20], [sflag:$0x2], $0x80, v4, vm0, $0xb8;
	[tilespmem:$0xC100] =	vst v63  }
0x5b: {  	_ = 	snop  }
0x5c: {  	[hbm4b:s3+s2] =	stream.indirect_vreg.scatter [tilespmem:s21], [sflag:$0x2], $0x80, v3, vm0, $0xb8;
	[tilespmem:$0xC100] =	vst v63  }
0x5d: {  	_ = 	snop  }
0x5e: {  	[hbm4b:s4+s2] =	stream.indirect_vreg.scatter [tilespmem:s22], [sflag:$0x2], $0x80, v3, vm0, $0xb8;
	[tilespmem:$0xC100] =	vst v63  }
0x5f: {  	_ = 	snop  }
0x60: {  	[hbm4b:s5+s2] =	stream.indirect_vreg.scatter [tilespmem:s23], [sflag:$0x2], $0x80, v3, vm0, $0xb8;
	[tilespmem:$0xC100] =	vst v63  }
0x61: {  	v3 =	vld [tilespmem:$0x90];
	_ =	sdelay $0x4  }
0x62: {  	v63 =	vshrl.u32 v3, $0x3  }
0x63: {  	v4 =	vmul.u32 $0x30, v63  }
0x64: {  	v3 =	vand.u32 $0x7, v3  }
0x65: {  	v3 =	vor.u32 v3, v4  }
0x66: {  	v4 =	vperm.xlane v3, v0;
	_ =	sdelay $0x1  }
0x67: {  	v4 =	vadd.s32 v1, v4;
	_ =	sdelay $0x3  }
0x68: {  	v3 =	vperm.xlane v3, v2  }
0x69: {  	[hbm4b:s3+s2] =	stream.indirect_vreg.scatter [tilespmem:s24], [sflag:$0x2], $0x80, v4, vm0, $0xb8;
	[tilespmem:$0xC100] =	vst v63  }
0x6a: {  	v3 =	vadd.s32 v1, v3  }
0x6b: {  	[hbm4b:s4+s2] =	stream.indirect_vreg.scatter [tilespmem:s25], [sflag:$0x2], $0x80, v4, vm0, $0xb8;
	[tilespmem:$0xC100] =	vst v63  }
0x6c: {  	_ = 	snop  }
0x6d: {  	[hbm4b:s5+s2] =	stream.indirect_vreg.scatter [tilespmem:s26], [sflag:$0x2], $0x80, v4, vm0, $0xb8;
	[tilespmem:$0xC100] =	vst v63  }
0x6e: {  	_ = 	snop  }
0x6f: {  	[hbm4b:s3+s2] =	stream.indirect_vreg.scatter [tilespmem:s28], [sflag:$0x2], $0x80, v3, vm0, $0xb8;
	[tilespmem:$0xC100] =	vst v63  }
0x70: {  	_ = 	snop  }
0x71: {  	[hbm4b:s4+s2] =	stream.indirect_vreg.scatter [tilespmem:s29], [sflag:$0x2], $0x80, v3, vm0, $0xb8;
	[tilespmem:$0xC100] =	vst v63  }
0x72: {  	_ = 	snop  }
0x73: {  	[hbm4b:s5+s2] =	stream.indirect_vreg.scatter [tilespmem:s30], [sflag:$0x2], $0x80, v3, vm0, $0xb8;
	[tilespmem:$0xC100] =	vst v63  }
0x74: {  	p0 =	sne.s32 s6, $0x1;
	_ =	swait.ge [sflag:s31], $0x6000  }
.Ltmp0:
0x75: {  	[sflag:s31] =	ssyncset.done $0x0;
	(pc) =	sbr.rel @p0 .LBB2_1-.Ltmp0, $4  }
0x76: {  	[sflag:s31] =	ssyncadd.s32 $0xFFFFA000  }
0x77: {  	_ =	swait.ge [sflag:s0], $0x6000  }
0x78: {  	[sflag:s0] =	ssyncset.done $0x0  }
0x79: {  	s6 =	sadd.s32 $0xFFFFFFFF, s6;
	[sflag:s0] =	ssyncadd.s32 $0xFFFFA000  }
0x7a: {  	_ =	sfence.sel $0x180000  }
0x7b: {  	[bflag:$0x0] =	sbarrier.arrive $0xFFFF  }
0x7c: {  	_ =	strace $0x90000047  }
0x7d: {  	s0 =	stileid.u32;
	[bflag:$0x2] =	sbarrier.arrive $0xFFFF  }
0x7e: {  	p0 =	sne.s32 s0, $0x0;
	s0 =	rddreg [dreg:$0x2]  }
0x7f: {  	s0 =	sadd.s32 @!p0 $0x100000, s0  }
0x80: {  	[sflag:s0] =	ssyncadd.tile.s32 @!p0 $0x1;
	_ =	shalt  }
.Lfunc_end2:
_tile_overlayer_lowered:
.L_overlay_start_2:
0x81: {  	(tag) =	ssettag $0x2  }
0x82: {  	s0 =	rddreg [dreg:$0x0];
	s2 =	stileid.u32  }
0x83: {  	s1 =	rddreg [dreg:$0x1];
	p0 =	sne.s32 s2, $0x0  }
0x84: {  	s3 =	rddreg [dreg:$0x2];
	[bflag:$0x3] =	sbarrier.arrive $0xFFFF;
	s2 =	simm.s32 @!p0 $0x1C03  }
0x85: {  	[timem:s3], [sflag:s2] =	dma.local @!p0 [hbm:s0], s1  }
0x86: {  	s0 =	simm.s32 @!p0 $0x3  }
0x87: {  	_ =	swait.ge @!p0 [sflag:s0], s1  }
0x88: {  	s1 =	ssub.s32 @!p0 $0x0, s1;
	[sflag:s0] =	ssyncset.done @!p0 $0x0  }
0x89: {  	[sflag:s0] =	ssyncadd.s32 @!p0 s1  }
0x8a: {  	[bflag:$0x3] =	sbarrier.arrive $0xFFFF  }
0x8b: {  	_ =	shalt  }

// kernel: sc_undispatch_gather.3.cloned.1.call-start
scs
__scs_entry_jumppad:
0x0: {  	(pc) =	sbr.rel $0x88, $3  }
0x1: {  	(tag) =	ssettag $0x0;
	lr =	simm.s32 $0x1  }
0x2: {  	[smem:$0x3F9C] =	sst lr;
	_ =	strace $0xD0000000  }
0x3: {  	_ = 	snop  }
0x4: {  	_ = 	snop  }
0x5: {  	_ = 	snop  }
0x6: {  	_ = 	snop  }
0x7: {  	_ = 	snop  }
__scs_overlays_trampoline_lowered:
0x8: {  	[smem:$0x3FAB] =	sst s0  }
0x9: {  	[smem:$0x3FAC] =	sst s1  }
0xa: {  	[smem:$0x3FAD] =	sst s2  }
0xb: {  	[smem:$0x3FAE] =	sst s3  }
0xc: {  	[smem:$0x3FAF] =	sst s4  }
0xd: {  	[smem:$0x3FB0] =	sst s5  }
0xe: {  	[smem:$0x3FB1] =	sst s6  }
0xf: {  	[smem:$0x3FB2] =	sst s7  }
0x10: {  	[smem:$0x3FB3] =	sst s8  }
0x11: {  	[smem:$0x3FB4] =	sst s9;
	s0 =	simm.s32 @!p0 $0x0  }
0x12: {  	s1 =	sld [smem:$0x3F9A];
	s0 =	simm.s32 @p0 $0x1  }
0x13: {  	[smem:$0x3FB5] =	sst s0;
	s0 =	simm.s32 @!p1 $0x0  }
0x14: {  	s2 =	sld [smem:$0x3F99];
	s0 =	simm.s32 @p1 $0x1  }
0x15: {  	[smem:$0x3FB6] =	sst s0;
	s0 =	simm.s32 @!p2 $0x0  }
0x16: {  	s3 =	sld [smem:$0x3FDB];
	s0 =	simm.s32 @p2 $0x1  }
0x17: {  	s4 =	simm.s32 $0x1BF5;
	[smem:$0x3FB8] =	sst s0  }
0x18: {  	s0 =	sld [smem:$0x3F9B];
	_ =	swait.ge [sflag:s4], $0x0  }
0x19: {  	s7 =	sld [smem:$0x3F9C]  }
0x1a: {  	s8 =	sadd.s32 $0xFFFFE003, lr  }
0x1b: {  	s9 =	sadd.s32 $0xFFFFFEF7, lr;
	s5 =	simm.s32 $0xFFFFFFFF;
	p2 =	slt.u32 s8, $0xFFFFF086  }
0x1c: {  	p1 =	slt.u32 s9, $0xF7A;
	s5 =	simm.s32 @!p2 $0x0  }
0x1d: {  	s5 =	simm.s32 @p1 $0x1;
	p0 =	seq.s32 s7, s2  }
0x1e: {  	s7 =	smul.u32 @!p0 $0xF7A, s2;
	p2 =	seq.s32 @!p0 s5, $0x0  }
0x1f: {  	s9 =	smul.u32 $0xF7A, s1;
	s8 =	simm.s32 @!p0 $0x1BF5;
	p2 =	por !p2, p0  }
0x20: {  	[sflag:s8] =	ssyncset.s32 @!p0 $0xFFFFF086;
	s6 =	sadd.s32 @!p0 s3, s7;
	s7 =	simm.s32 @!p0 $0x108  }
0x21: {  	s3 =	sadd.s32 s3, s9;
	s6 =	sadd.s32 @!p0 $0x88, s6;
	s7 =	simm.s32 @p2 $0x1082  }
0x22: {  	[simem:s7], [sflag:s8] =	dma.local @!p0 [hbm:s6], $0xF7A  }
0x23: {  	s9 =	sor.u32 $0xD0000000, s2;
	s6 =	simm.s32 $0x108;
	_ =	swait.ge @!p0 [sflag:s8], $0x0  }
0x24: {  	s3 =	sadd.s32 $0x88, s3;
	s6 =	simm.s32 @!p1 $0x1082;
	[sflag:s4] =	ssyncset.s32 $0xFFFFF086  }
0x25: {  	[simem:s6], [sflag:s4] =	dma.local [hbm:s3], $0xF7A  }
0x26: {  	[smem:$0x3F9C] =	sst s1;
	(tag) =	ssettag s2;
	_ =	strace s9  }
0x27: {  	s1 =	sld [smem:$0x3FAC]  }
0x28: {  	s2 =	sld [smem:$0x3FAD]  }
0x29: {  	s4 =	sld [smem:$0x3FAF]  }
0x2a: {  	p0 =	seq.s32 s5, $0x0;
	s5 =	sld [smem:$0x3FB0]  }
0x2b: {  	s6 =	sld [smem:$0x3FB1]  }
0x2c: {  	s7 =	sld [smem:$0x3FB2]  }
0x2d: {  	s3 =	simm.s32 $0x108;
	s8 =	sld [smem:$0x3FB3]  }
0x2e: {  	s3 =	simm.s32 @!p0 $0x1082;
	s9 =	sld [smem:$0x3FB4]  }
0x2f: {  	lr =	sadd.s32 s0, s3;
	s0 =	sld [smem:$0x3FAB]  }
0x30: {  	s3 =	sld [smem:$0x3FAE]  }
0x31: {  	[smem:$0x3FB7] =	sst s10  }
0x32: {  	s10 =	sld [smem:$0x3FB5];
	_ =	sdelay $0x3  }
0x33: {  	p0 =	seq.s32 s10, $0x1;
	s10 =	sld [smem:$0x3FB7];
	_ =	sdelay $0x3  }
0x34: {  	[smem:$0x3FB7] =	sst s10  }
0x35: {  	s10 =	sld [smem:$0x3FB6];
	_ =	sdelay $0x3  }
0x36: {  	p1 =	seq.s32 s10, $0x1;
	s10 =	sld [smem:$0x3FB7];
	_ =	sdelay $0x3  }
0x37: {  	[smem:$0x3FB7] =	sst s10  }
0x38: {  	s10 =	sld [smem:$0x3FB8]  }
0x39: {  	_ = 	snop;
	(pc) =	sbr.ind lr, $3  }
0x3a: {  	_ = 	snop  }
0x3b: {  	_ = 	snop  }
0x3c: {  	p2 =	seq.s32 s10, $0x1;
	s10 =	sld [smem:$0x3FB7]  }
0x3d: {  	_ =	shalt  }
0x3e: {  	_ =	shalt  }
0x3f: {  	_ =	shalt  }
0x40: {  	_ =	shalt  }
0x41: {  	_ =	shalt  }
0x42: {  	_ =	shalt  }
0x43: {  	_ =	shalt  }
0x44: {  	_ =	shalt  }
0x45: {  	_ =	shalt  }
0x46: {  	_ =	shalt  }
0x47: {  	_ =	shalt  }
0x48: {  	_ =	shalt  }
0x49: {  	_ =	shalt  }
0x4a: {  	_ =	shalt  }
0x4b: {  	_ =	shalt  }
0x4c: {  	_ =	shalt  }
0x4d: {  	_ =	shalt  }
0x4e: {  	_ =	shalt  }
0x4f: {  	_ =	shalt  }
0x50: {  	_ =	shalt  }
0x51: {  	_ =	shalt  }
0x52: {  	_ =	shalt  }
0x53: {  	_ =	shalt  }
0x54: {  	_ =	shalt  }
0x55: {  	_ =	shalt  }
0x56: {  	_ =	shalt  }
0x57: {  	_ =	shalt  }
0x58: {  	_ =	shalt  }
0x59: {  	_ =	shalt  }
0x5a: {  	_ =	shalt  }
0x5b: {  	_ =	shalt  }
0x5c: {  	_ =	shalt  }
0x5d: {  	_ =	shalt  }
0x5e: {  	_ =	shalt  }
0x5f: {  	_ =	shalt  }
0x60: {  	_ =	shalt  }
0x61: {  	_ =	shalt  }
0x62: {  	_ =	shalt  }
0x63: {  	_ =	shalt  }
0x64: {  	_ =	shalt  }
0x65: {  	_ =	shalt  }
0x66: {  	_ =	shalt  }
0x67: {  	_ =	shalt  }
0x68: {  	_ =	shalt  }
0x69: {  	_ =	shalt  }
0x6a: {  	_ =	shalt  }
0x6b: {  	_ =	shalt  }
0x6c: {  	_ =	shalt  }
0x6d: {  	_ =	shalt  }
0x6e: {  	_ =	shalt  }
0x6f: {  	_ =	shalt  }
0x70: {  	_ =	shalt  }
0x71: {  	_ =	shalt  }
0x72: {  	_ =	shalt  }
0x73: {  	_ =	shalt  }
0x74: {  	_ =	shalt  }
0x75: {  	_ =	shalt  }
0x76: {  	_ =	shalt  }
0x77: {  	_ =	shalt  }
0x78: {  	_ =	shalt  }
0x79: {  	_ =	shalt  }
0x7a: {  	_ =	shalt  }
0x7b: {  	_ =	shalt  }
0x7c: {  	_ =	shalt  }
0x7d: {  	_ =	shalt  }
0x7e: {  	_ =	shalt  }
0x7f: {  	_ =	shalt  }
0x80: {  	_ =	shalt  }
0x81: {  	_ =	shalt  }
0x82: {  	_ =	shalt  }
0x83: {  	_ =	shalt  }
0x84: {  	_ =	shalt  }
0x85: {  	_ =	shalt  }
0x86: {  	_ =	shalt  }
0x87: {  	_ =	shalt  }
.Lfunc_end0:
.L_simem_size_0:
called_computation.1_lowered:
.L_overlay_start_0:
0x88: {  	s2 =	sld [smem:$0x3FD9]  }
0x89: {  	s3 =	sld [smem:$0x3FFE];
	_ =	sdelay $0x1  }
0x8a: {  	s1 =	srdreg.scid  }
0x8b: {  	s0 =	sand.u32 $0x1, s1  }
0x8c: {  	s14 =	sshll.u32 s0, $0xA;
	s2 =	sadd.s32 s3, s2  }
0x8d: {  	s2 =	sadd.s32 s2, s14  }
0x8e: {  	[smem:$0x3FC3] =	sst s2  }
0x8f: {  	_ = 	snop  }
0x90: {  	s2 =	sld [smem:$0x3FD0];
	_ =	sdelay $0x2  }
0x91: {  	s15 =	simm.s32 $0xA;
	s4 =	simm.s32 $0x10  }
0x92: {  	[smem:s4], [sflag:s15] =	dma.local [hbm:s2], $0x1  }
0x93: {  	_ =	swait.eq [sflag:s15], $0x1  }
0x94: {  	[sflag:s15] =	ssyncset.done $0x0  }
0x95: {  	[sflag:s15] =	ssyncadd.s32 $0xFFFFFFFF  }
0x96: {  	s16 =	sld [smem:$0x10];
	(tm) =	ssettm $0x1  }
0x97: {  	s17 =	sld [smem:$0x3FFB];
	_ =	sdelay $0x3  }
0x98: {  	_ =	strace s17  }
0x99: {  	s3 =	sld [smem:$0x3FFC];
	_ =	sdelay $0x3  }
0x9a: {  	_ =	strace s3  }
0x9b: {  	s3 =	sld [smem:$0x3FFD];
	_ =	sdelay $0x3  }
0x9c: {  	_ =	strace s3  }
0x9d: {  	_ =	strace $0x8FFFFFFF  }
0x9e: {  	s18 =	sld [smem:$0x3FDB];
	_ =	sdelay $0x1  }
0x9f: {  	s19 =	simm.s32 $_scs_section_size  }
0xa0: {  	s5 =	simm.s32 $_size__tile_overlayer_lowered;
	s6 =	simm.s32 $_tile_overlayer_lowered  }
0xa1: {  	s22 =	simm.s32 $0x1BFF;
	s21 =	sshll.u32 s6, $0x1;
	s3 =	sadd.s32 s19, s18  }
0xa2: {  	s7 =	simm.s32 $0x0;
	s20 =	sshll.u32 s5, $0x1;
	s5 =	sadd.s32 s21, s3  }
0xa3: {  	[timem:s7], [sflag:s22] =	dma.local [hbm:s5], s20  }
0xa4: {  	_ =	swait.ge [sflag:s22], s20  }
0xa5: {  	s4 =	ssub.s32 $0x0, s20;
	[sflag:s22] =	ssyncset.done $0x0  }
0xa6: {  	[sflag:s22] =	ssyncadd.s32 s4;
	_ =	sdelay $0x1  }
0xa7: {  	s23 =	simm.s32 $0x1B8B  }
0xa8: {  	_ =	swait.ge [sflag:s23], $0x1  }
0xa9: {  	[sflag:s23] =	ssyncset.done $0x0  }
0xaa: {  	s25 =	simm.s32 $0x1B8E;
	s24 =	sld [smem:$0x3FFE];
	[sflag:s23] =	ssyncadd.s32 $0xFFFFFFFF  }
0xab: {  	s26 =	simm.s32 $execute0_lowered;
	[smem:$0x3FD2] =	sst s25  }
0xac: {  	s5 =	sshll.u32 s26, $0x1;
	_ =	strace $0x80000049;
	[dreg:$0x1] =	wrdreg $0xFFFFFFFF  }
0xad: {  	s28 =	simm.s32 $_size_execute0_lowered;
	s3 =	sadd.s32 s3, s5;
	[dreg:$0x0] =	wrdreg $0x0  }
0xae: {  	s5 =	sshll.u32 s28, $0x1;
	[dreg:$0x2] =	wrdreg s3  }
0xaf: {  	[dreg:$0x3] =	wrdreg s5  }
0xb0: {  	[dreg:$0x4] =	wrdreg $0xC0  }
0xb1: {  	_ =	task [dreg:s7], $0x5FFFF  }
0xb2: {  	[dreg:$0x1] =	wrdreg $0xFFFFFFFF  }
0xb3: {  	[dreg:$0x0] =	wrdreg $0x60  }
0xb4: {  	[dreg:$0x2] =	wrdreg s24  }
0xb5: {  	[dreg:$0x3] =	wrdreg s16  }
0xb6: {  	[dreg:$0x4] =	wrdreg $0x9  }
0xb7: {  	_ =	task.clear_ibuf [dreg:s7], $0x5FFFF;
	_ =	strace $0x90000049  }
0xb8: {  	s29 =	simm.s32 $0x9;
	_ =	strace $0x8000004B  }
0xb9: {  	_ =	swait.ge [sflag:s29], $0x1  }
0xba: {  	[sflag:s29] =	ssyncadd.s32 $0xFFFFFFFF  }
0xbb: {  	_ =	strace $0x9000004B  }
0xbc: {  	_ =	sfence  }
0xbd: {  	s30 =	sld [smem:$0x0];
	_ =	sdelay $0x2  }
0xbe: {  	s31 =	sshll.u32 s1, $0xD;
	s1 =	sshrl.u32 s1, $0x2  }
0xbf: {  	s3 =	sand.u32 $0x4000, s31;
	s1 =	sadd.s32 s1, s30  }
0xc0: {  	s0 =	sor.u32 s3, s0;
	s1 =	sshll.u32 s1, $0x11  }
0xc1: {  	s0 =	sor.u32 s1, s0  }
0xc2: {  	s0 =	sadd.s32 $0x8F2B, s0  }
0xc3: {  	[sflag:s0] =	ssyncadd.remote.s32 $0x1  }
0xc4: {  	_ =	sfence.sel $0xFFFF  }
0xc5: {  	[dreg:$0x0] =	wrdreg $0xFFFFFFFF;
	(pc) =	sbr.abs _section_cstart, $3  }
0xc6: {  	[dreg:$0x1] =	wrdreg $0xFFFFFFFF  }
0xc7: {  	_ =	task.clear_ibuf [dreg:s7], $0x2FFFF;
	_ =	strace $0x9FFFFFFF  }
0xc8: {  	(tm) =	ssettm $0x7FFFFFFF  }
0xc9: {  	_ =	shalt  }
tec
execute0_lowered:
.L_overlay_start_1:
0x0: {  	(tag) =	ssettag $0x1  }
0x1: {  	s0 =	rddreg [dreg:$0x0]  }
0x2: {  	s6 =	rddreg [dreg:$0x1];
	s1 =	simm.s32 $0x0  }
0x3: {  	s2 =	srdreg.scid;
	s19 =	stileid.u32;
	s24 =	simm.s32 $0x900  }
0x4: {  	s25 =	simm.s32 $0x1100;
	s26 =	simm.s32 $0x1900;
	s11 =	simm.s32 $0x3100  }
0x5: {  	s12 =	simm.s32 $0x3900;
	s13 =	simm.s32 $0x4100;
	s14 =	simm.s32 $0x4900  }
0x6: {  	s15 =	simm.s32 $0x5100;
	s16 =	simm.s32 $0x5900;
	s17 =	simm.s32 $0x80  }
0x7: {  	s18 =	simm.s32 $0x6100;
	s28 =	simm.s32 $0xA900;
	s29 =	simm.s32 $0xB100  }
0x8: {  	s30 =	simm.s32 $0xB900;
	s31 =	simm.s32 $0x1;
	[smem:$0x7FF] =	sst s1  }
0x9: {  	s4 =	sand.u32 $0x1, s2;
	s3 =	sadd.s32 $0x1200, s0;
	s8 =	sshll.u32 s19, $0x4  }
0xa: {  	s9 =	sadd.s32 $0x1000, s0;
	_ =	strace $0x8000004A;
	[dreg:$0x7] =	wrdreg s24  }
0xb: {  	s19 =	simm.s32 $0x6900;
	s5 =	ssub.s32 $0x2, s4;
	[dreg:$0x8] =	wrdreg s25  }
0xc: {  	s4 =	sshll.u32 s4, $0x3;
	[dreg:$0x9] =	wrdreg s26;
	s24 =	simm.s32 $0x9100  }
0xd: {  	s25 =	simm.s32 $0x9900;
	s7 =	sshrl.u32 s5, $0x1;
	s4 =	sor.u32 s4, s8  }
0xe: {  	s26 =	simm.s32 $0xA100;
	s7 =	ssub.s32 s5, s7;
	s20 =	sadd.s32 s9, s4  }
0xf: {  	s8 =	sor.u32 $0x4, s4;
	s10 =	smul.u32 $0x300, s4;
	s4 =	sadd.s32 $0x1300, s0  }
0x10: {  	s5 =	sadd.s32 $0x1400, s0;
	s0 =	simm.s32 $0x2;
	[dreg:$0x3] =	wrdreg s20  }
0x11: {  	s21 =	sadd.s32 s9, s8;
	s8 =	smul.u32 $0x300, s8;
	s20 =	simm.s32 $0x7100  }
0x12: {  	[dreg:$0x4] =	wrdreg s21;
	s22 =	sadd.s32 s6, s10;
	s10 =	simm.s32 $0x2900  }
0x13: {  	v2 =	vlaneseq.u32;
	s21 =	simm.s32 $0x7900;
	[dreg:$0x5] =	wrdreg s22;
	s23 =	sadd.s32 s6, s8  }
0x14: {  	vm0 =	vmmov $0xffff;
	v1 =	vshrl.u32 v2, $0x3;
	s6 =	smax.u32 s7, $0x1;
	s7 =	simm.s32 $0x3;
	s8 =	simm.s32 $0x100  }
0x15: {  	v0 =	vand.u32 $0x7, v2;
	v2 =	vor.u32 $0x8, v2;
	v1 =	vmul.u32 $0x8, v1;
	s22 =	simm.s32 $0x8100;
	[dreg:$0x6] =	wrdreg s23;
	s23 =	simm.s32 $0x8900  }
.LBB2_1:
0x16: {  	s2 =	rddreg [dreg:$0x3]  }
0x17: {  	[tilespmem:s1], [sflag:$0x3] =	stream.linear.gather [hbm4b:s2+s1], $0x20, $0x38;
	[tilespmem:$0xC100] =	vst v63  }
0x18: {  	_ =	swait.ge [sflag:s7], $0x20  }
0x19: {  	[sflag:s7] =	ssyncset.done $0x0  }
0x1a: {  	[sflag:s7] =	ssyncadd.s32 $0xFFFFFFE0  }
0x1b: {  	v3 =	vld [tilespmem:$0x0];
	_ =	sdelay $0x4  }
0x1c: {  	v4 =	vshrl.u32 v3, $0x3  }
0x1d: {  	v4 =	vmul.u32 $0x30, v4  }
0x1e: {  	v3 =	vand.u32 $0x7, v3  }
0x1f: {  	v3 =	vor.u32 v3, v4  }
0x20: {  	v4 =	vperm.xlane v3, v0;
	_ =	sdelay $0x1  }
0x21: {  	v4 =	vadd.s32 v1, v4;
	_ =	sdelay $0x3  }
0x22: {  	v3 =	vperm.xlane v3, v2  }
0x23: {  	[tilespmem:s8], [sflag:$0x1] =	stream.indirect_vreg.gather [hbm4b:s3+s1], $0x80, v4, vm0, $0xb8;
	[tilespmem:$0xC100] =	vst v63  }
0x24: {  	s2 =	rddreg [dreg:$0x7];
	v3 =	vadd.s32 v1, v3  }
0x25: {  	[tilespmem:s2], [sflag:$0x1] =	stream.indirect_vreg.gather [hbm4b:s4+s1], $0x80, v4, vm0, $0xb8;
	[tilespmem:$0xC100] =	vst v63  }
0x26: {  	s9 =	rddreg [dreg:$0x8]  }
0x27: {  	[tilespmem:s9], [sflag:$0x1] =	stream.indirect_vreg.gather [hbm4b:s5+s1], $0x80, v4, vm0, $0xb8;
	[tilespmem:$0xC100] =	vst v63  }
0x28: {  	s2 =	rddreg [dreg:$0x9]  }
0x29: {  	[tilespmem:s2], [sflag:$0x1] =	stream.indirect_vreg.gather [hbm4b:s3+s1], $0x80, v3, vm0, $0xb8;
	[tilespmem:$0xC100] =	vst v63  }
0x2a: {  	s9 =	simm.s32 $0x2100  }
0x2b: {  	[tilespmem:s9], [sflag:$0x1] =	stream.indirect_vreg.gather [hbm4b:s4+s1], $0x80, v3, vm0, $0xb8;
	[tilespmem:$0xC100] =	vst v63  }
0x2c: {  	_ = 	snop  }
0x2d: {  	[tilespmem:s10], [sflag:$0x1] =	stream.indirect_vreg.gather [hbm4b:s5+s1], $0x80, v3, vm0, $0xb8;
	[tilespmem:$0xC100] =	vst v63  }
0x2e: {  	v3 =	vld [tilespmem:$0x10];
	_ =	sdelay $0x4  }
0x2f: {  	v61 =	vshrl.u32 v3, $0x3  }
0x30: {  	v4 =	vmul.u32 $0x30, v61  }
0x31: {  	v3 =	vand.u32 $0x7, v3  }
0x32: {  	v3 =	vor.u32 v3, v4  }
0x33: {  	v4 =	vperm.xlane v3, v0;
	_ =	sdelay $0x1  }
0x34: {  	v4 =	vadd.s32 v1, v4;
	_ =	sdelay $0x3  }
0x35: {  	v3 =	vperm.xlane v3, v2  }
0x36: {  	[tilespmem:s11], [sflag:$0x1] =	stream.indirect_vreg.gather [hbm4b:s3+s1], $0x80, v4, vm0, $0xb8;
	[tilespmem:$0xC100] =	vst v63  }
0x37: {  	v3 =	vadd.s32 v1, v3  }
0x38: {  	[tilespmem:s12], [sflag:$0x1] =	stream.indirect_vreg.gather [hbm4b:s4+s1], $0x80, v4, vm0, $0xb8;
	[tilespmem:$0xC100] =	vst v63  }
0x39: {  	_ = 	snop  }
0x3a: {  	[tilespmem:s13], [sflag:$0x1] =	stream.indirect_vreg.gather [hbm4b:s5+s1], $0x80, v4, vm0, $0xb8;
	[tilespmem:$0xC100] =	vst v63  }
0x3b: {  	_ = 	snop  }
0x3c: {  	[tilespmem:s14], [sflag:$0x1] =	stream.indirect_vreg.gather [hbm4b:s3+s1], $0x80, v3, vm0, $0xb8;
	[tilespmem:$0xC100] =	vst v63  }
0x3d: {  	_ = 	snop  }
0x3e: {  	[tilespmem:s15], [sflag:$0x1] =	stream.indirect_vreg.gather [hbm4b:s4+s1], $0x80, v3, vm0, $0xb8;
	[tilespmem:$0xC100] =	vst v63  }
0x3f: {  	_ = 	snop  }
0x40: {  	[tilespmem:s16], [sflag:$0x1] =	stream.indirect_vreg.gather [hbm4b:s5+s1], $0x80, v3, vm0, $0xb8;
	[tilespmem:$0xC100] =	vst v63  }
0x41: {  	s9 =	rddreg [dreg:$0x4]  }
0x42: {  	[tilespmem:s17], [sflag:$0x3] =	stream.linear.gather [hbm4b:s9+s1], $0x20, $0x38;
	[tilespmem:$0xC100] =	vst v63  }
0x43: {  	_ =	swait.ge [sflag:s7], $0x20  }
0x44: {  	[sflag:s7] =	ssyncset.done $0x0  }
0x45: {  	[sflag:s7] =	ssyncadd.s32 $0xFFFFFFE0  }
0x46: {  	v3 =	vld [tilespmem:$0x80];
	_ =	sdelay $0x4  }
0x47: {  	v62 =	vshrl.u32 v3, $0x3  }
0x48: {  	v4 =	vmul.u32 $0x30, v62  }
0x49: {  	v3 =	vand.u32 $0x7, v3  }
0x4a: {  	v3 =	vor.u32 v3, v4  }
0x4b: {  	v4 =	vperm.xlane v3, v0;
	_ =	sdelay $0x1  }
0x4c: {  	v4 =	vadd.s32 v1, v4;
	_ =	sdelay $0x3  }
0x4d: {  	v3 =	vperm.xlane v3, v2  }
0x4e: {  	[tilespmem:s18], [sflag:$0x2] =	stream.indirect_vreg.gather [hbm4b:s3+s1], $0x80, v4, vm0, $0xb8;
	[tilespmem:$0xC100] =	vst v63  }
0x4f: {  	v3 =	vadd.s32 v1, v3  }
0x50: {  	[tilespmem:s19], [sflag:$0x2] =	stream.indirect_vreg.gather [hbm4b:s4+s1], $0x80, v4, vm0, $0xb8;
	[tilespmem:$0xC100] =	vst v63  }
0x51: {  	_ = 	snop  }
0x52: {  	[tilespmem:s20], [sflag:$0x2] =	stream.indirect_vreg.gather [hbm4b:s5+s1], $0x80, v4, vm0, $0xb8;
	[tilespmem:$0xC100] =	vst v63  }
0x53: {  	_ = 	snop  }
0x54: {  	[tilespmem:s21], [sflag:$0x2] =	stream.indirect_vreg.gather [hbm4b:s3+s1], $0x80, v3, vm0, $0xb8;
	[tilespmem:$0xC100] =	vst v63  }
0x55: {  	_ = 	snop  }
0x56: {  	[tilespmem:s22], [sflag:$0x2] =	stream.indirect_vreg.gather [hbm4b:s4+s1], $0x80, v3, vm0, $0xb8;
	[tilespmem:$0xC100] =	vst v63  }
0x57: {  	_ = 	snop  }
0x58: {  	[tilespmem:s23], [sflag:$0x2] =	stream.indirect_vreg.gather [hbm4b:s5+s1], $0x80, v3, vm0, $0xb8;
	[tilespmem:$0xC100] =	vst v63  }
0x59: {  	v3 =	vld [tilespmem:$0x90];
	_ =	sdelay $0x4  }
0x5a: {  	v63 =	vshrl.u32 v3, $0x3  }
0x5b: {  	v4 =	vmul.u32 $0x30, v63  }
0x5c: {  	v3 =	vand.u32 $0x7, v3  }
0x5d: {  	v3 =	vor.u32 v3, v4  }
0x5e: {  	v4 =	vperm.xlane v3, v0;
	_ =	sdelay $0x1  }
0x5f: {  	v4 =	vadd.s32 v1, v4;
	_ =	sdelay $0x3  }
0x60: {  	v3 =	vperm.xlane v3, v2  }
0x61: {  	[tilespmem:s24], [sflag:$0x2] =	stream.indirect_vreg.gather [hbm4b:s3+s1], $0x80, v4, vm0, $0xb8;
	[tilespmem:$0xC100] =	vst v63  }
0x62: {  	v3 =	vadd.s32 v1, v3  }
0x63: {  	[tilespmem:s25], [sflag:$0x2] =	stream.indirect_vreg.gather [hbm4b:s4+s1], $0x80, v4, vm0, $0xb8;
	[tilespmem:$0xC100] =	vst v63  }
0x64: {  	_ = 	snop  }
0x65: {  	[tilespmem:s26], [sflag:$0x2] =	stream.indirect_vreg.gather [hbm4b:s5+s1], $0x80, v4, vm0, $0xb8;
	[tilespmem:$0xC100] =	vst v63  }
0x66: {  	_ = 	snop  }
0x67: {  	[tilespmem:s28], [sflag:$0x2] =	stream.indirect_vreg.gather [hbm4b:s3+s1], $0x80, v3, vm0, $0xb8;
	[tilespmem:$0xC100] =	vst v63  }
0x68: {  	_ = 	snop  }
0x69: {  	[tilespmem:s29], [sflag:$0x2] =	stream.indirect_vreg.gather [hbm4b:s4+s1], $0x80, v3, vm0, $0xb8;
	[tilespmem:$0xC100] =	vst v63  }
0x6a: {  	_ = 	snop  }
0x6b: {  	[tilespmem:s30], [sflag:$0x2] =	stream.indirect_vreg.gather [hbm4b:s5+s1], $0x80, v3, vm0, $0xb8;
	[tilespmem:$0xC100] =	vst v63  }
0x6c: {  	_ =	swait.ge [sflag:s31], $0x6000  }
0x6d: {  	[sflag:s31] =	ssyncset.done $0x0  }
0x6e: {  	s9 =	rddreg [dreg:$0x5];
	[sflag:s31] =	ssyncadd.s32 $0xFFFFA000  }
0x6f: {  	[hbm4b:s9+s1] =	stream.linear.scatter [tilespmem:s8], [sflag:$0x3], $0x6000, $0x38;
	[tilespmem:$0xC100] =	vst v63  }
0x70: {  	_ =	swait.ge [sflag:s7], $0x6000  }
0x71: {  	[sflag:s7] =	ssyncset.done $0x0  }
0x72: {  	[sflag:s7] =	ssyncadd.s32 $0xFFFFA000  }
0x73: {  	_ =	swait.ge [sflag:s0], $0x6000  }
0x74: {  	p0 =	sne.s32 s6, $0x1;
	[sflag:s0] =	ssyncset.done $0x0  }
.Ltmp0:
0x75: {  	s9 =	rddreg [dreg:$0x6];
	[sflag:s0] =	ssyncadd.s32 $0xFFFFA000;
	(pc) =	sbr.rel @p0 .LBB2_1-.Ltmp0, $4  }
0x76: {  	[hbm4b:s9+s1] =	stream.linear.scatter [tilespmem:s18], [sflag:$0x3], $0x6000, $0x38;
	[tilespmem:$0xC100] =	vst v63  }
0x77: {  	_ =	swait.ge [sflag:s7], $0x6000  }
0x78: {  	[sflag:s7] =	ssyncset.done $0x0  }
0x79: {  	s6 =	sadd.s32 $0xFFFFFFFF, s6;
	[sflag:s7] =	ssyncadd.s32 $0xFFFFA000  }
0x7a: {  	_ =	sfence.sel $0x180000  }
0x7b: {  	[bflag:$0x0] =	sbarrier.arrive $0xFFFF  }
0x7c: {  	_ =	strace $0x9000004A  }
0x7d: {  	s0 =	stileid.u32;
	[bflag:$0x2] =	sbarrier.arrive $0xFFFF  }
0x7e: {  	p0 =	sne.s32 s0, $0x0;
	s0 =	rddreg [dreg:$0x2]  }
0x7f: {  	s0 =	sadd.s32 @!p0 $0x100000, s0  }
0x80: {  	[sflag:s0] =	ssyncadd.tile.s32 @!p0 $0x1;
	_ =	shalt  }
.Lfunc_end2:
_tile_overlayer_lowered:
.L_overlay_start_2:
0x81: {  	(tag) =	ssettag $0x2  }
0x82: {  	s0 =	rddreg [dreg:$0x0];
	s2 =	stileid.u32  }
0x83: {  	s1 =	rddreg [dreg:$0x1];
	p0 =	sne.s32 s2, $0x0  }
0x84: {  	s3 =	rddreg [dreg:$0x2];
	[bflag:$0x3] =	sbarrier.arrive $0xFFFF;
	s2 =	simm.s32 @!p0 $0x1C03  }
0x85: {  	[timem:s3], [sflag:s2] =	dma.local @!p0 [hbm:s0], s1  }
0x86: {  	s0 =	simm.s32 @!p0 $0x3  }
0x87: {  	_ =	swait.ge @!p0 [sflag:s0], s1  }
0x88: {  	s1 =	ssub.s32 @!p0 $0x0, s1;
	[sflag:s0] =	ssyncset.done @!p0 $0x0  }
0x89: {  	[sflag:s0] =	ssyncadd.s32 @!p0 s1  }
0x8a: {  	[bflag:$0x3] =	sbarrier.arrive $0xFFFF  }
0x8b: {  	_ =	shalt  }

</sc_bundles>
